<compile_context>
chip_gen: v7x
topology: tpu7x:2x2x1
jax: 0.10.2.dev20260603
libtpu: 0.0.44.dev20260713+nightly
codegen_flags: <defaults>
</compile_context>

<pallas_src>
import jax
import jax.numpy as jnp
from jax import lax
from jax.experimental import pallas as pl
from jax.experimental.pallas import tpu as pltpu
from jax.experimental.pallas import tpu_sc as plsc

_EPS = 1e-3

_BN1 = 1000
_BN2 = 200
_SC_CHUNK = 200


def _k1_body(atom_ref, wn_ref, wf_ref, out_ref):
    a = atom_ref[...]
    core = jnp.dot(a, wn_ref[...], preferred_element_type=jnp.float32)
    filt = jnp.dot(a, wf_ref[...], preferred_element_type=jnp.float32)
    cu = jax.lax.bitcast_convert_type(core, jnp.int32)
    fu = jax.lax.bitcast_convert_type(filt, jnp.int32)
    lo = ((cu + 0x8000) >> 16) & 0xFFFF
    hi = (fu + 0x8000) & jnp.int32(-65536)
    out_ref[...] = lo | hi


def _k2_body(atom_ref, g_ref, bond_ref, ws_ref, wb_ref, wfb_ref,
             ta_ref, sb_ref, tb_ref, out_ref):
    F = 128
    M = 32
    n = atom_ref.shape[0]
    atom = atom_ref[...]
    bond = bond_ref[...]
    u = g_ref[...]
    bond16 = bond.astype(jnp.bfloat16)
    core_g = jax.lax.bitcast_convert_type(u << 16, jnp.float32)
    filt_g = jax.lax.bitcast_convert_type(u & jnp.int32(-65536), jnp.float32)
    core2 = core_g + jnp.dot(bond16, wb_ref[...], preferred_element_type=jnp.float32)
    a_selft = jnp.dot(atom.astype(jnp.bfloat16), ws_ref[...],
                      preferred_element_type=jnp.float32) + ta_ref[...]
    core3 = jnp.maximum(core2.reshape(n, M, F) + a_selft[:, None, :], 0.0)
    f = filt_g + jnp.dot(bond16, wfb_ref[...], preferred_element_type=jnp.float32)
    ex = jnp.exp2(f).reshape(n, M, F)
    num = jnp.sum(ex * core3, axis=1)
    den = jnp.sum(ex, axis=1)
    out_ref[...] = jnp.maximum(
        atom + (num / den) * sb_ref[...] + tb_ref[...], 0.0)


def _sc_gather(table, idx, e_off, n_rows, width, chunk):
    nw = 32
    per_w = n_rows // nw
    iters = per_w // chunk
    mesh = plsc.VectorSubcoreMesh(core_axis_name="c", subcore_axis_name="s")

    @pl.kernel(
        out_type=jax.ShapeDtypeStruct((n_rows, width), jnp.int32),
        mesh=mesh,
        scratch_types=[
            pltpu.VMEM((chunk,), jnp.int32),
            pltpu.VMEM((chunk,), jnp.int32),
            pltpu.VMEM((chunk, width), jnp.int32),
            pltpu.VMEM((chunk, width), jnp.int32),
            pltpu.SemaphoreType.DMA,
            pltpu.SemaphoreType.DMA,
            pltpu.SemaphoreType.DMA,
            pltpu.SemaphoreType.DMA,
        ],
    )
    def k(table_hbm, idx_hbm, out_hbm, idx_v0, idx_v1, rows_v0, rows_v1,
          sem_g0, sem_g1, sem_s0, sem_s1):
        wid = lax.axis_index("s") * 2 + lax.axis_index("c")
        base = wid * per_w

        pltpu.sync_copy(idx_hbm.at[pl.ds(e_off + base, chunk)], idx_v0)
        pltpu.async_copy(table_hbm.at[idx_v0], rows_v0, sem_g0)
        pltpu.sync_copy(idx_hbm.at[pl.ds(e_off + base + chunk, chunk)], idx_v1)
        pltpu.async_copy(table_hbm.at[idx_v1], rows_v1, sem_g1)

        n_pairs = (iters - 2) // 2 if iters % 2 == 0 else (iters - 3) // 2

        @pl.loop(0, n_pairs)
        def _(kk):
            off0 = base + (2 * kk) * chunk
            pltpu.make_async_copy(table_hbm.at[idx_v0], rows_v0, sem_g0).wait()
            st0 = pltpu.async_copy(rows_v0, out_hbm.at[pl.ds(off0, chunk)], sem_s0)
            pltpu.sync_copy(idx_hbm.at[pl.ds(e_off + off0 + 2 * chunk, chunk)], idx_v0)
            st0.wait()
            pltpu.async_copy(table_hbm.at[idx_v0], rows_v0, sem_g0)

            off1 = off0 + chunk
            pltpu.make_async_copy(table_hbm.at[idx_v1], rows_v1, sem_g1).wait()
            st1 = pltpu.async_copy(rows_v1, out_hbm.at[pl.ds(off1, chunk)], sem_s1)
            pltpu.sync_copy(idx_hbm.at[pl.ds(e_off + off1 + 2 * chunk, chunk)], idx_v1)
            st1.wait()
            pltpu.async_copy(table_hbm.at[idx_v1], rows_v1, sem_g1)

        if iters % 2 == 1:
            off = base + (iters - 3) * chunk
            pltpu.make_async_copy(table_hbm.at[idx_v0], rows_v0, sem_g0).wait()
            pltpu.sync_copy(rows_v0, out_hbm.at[pl.ds(off, chunk)])
            pltpu.sync_copy(idx_hbm.at[pl.ds(e_off + off + 2 * chunk, chunk)], idx_v0)
            pltpu.async_copy(table_hbm.at[idx_v0], rows_v0, sem_g0)
            pltpu.make_async_copy(table_hbm.at[idx_v1], rows_v1, sem_g1).wait()
            pltpu.sync_copy(rows_v1, out_hbm.at[pl.ds(base + (iters - 2) * chunk, chunk)])
            pltpu.make_async_copy(table_hbm.at[idx_v0], rows_v0, sem_g0).wait()
            pltpu.sync_copy(rows_v0, out_hbm.at[pl.ds(base + (iters - 1) * chunk, chunk)])
        else:
            pltpu.make_async_copy(table_hbm.at[idx_v0], rows_v0, sem_g0).wait()
            pltpu.sync_copy(rows_v0, out_hbm.at[pl.ds(base + (iters - 2) * chunk, chunk)])
            pltpu.make_async_copy(table_hbm.at[idx_v1], rows_v1, sem_g1).wait()
            pltpu.sync_copy(rows_v1, out_hbm.at[pl.ds(base + (iters - 1) * chunk, chunk)])

    return k(table, idx)


def kernel(atom_fea, bond_fea, nbr_list, W_core, b_core, W_filter, b_filter,
           gamma_a, beta_a, gamma_b, beta_b):
    B, N, F = atom_fea.shape
    M = nbr_list.shape[-1]
    Fb = bond_fea.shape[-1]
    E = N * M

    atom2 = atom_fea.reshape(N, F)
    bond2 = bond_fea.reshape(E, Fb)
    nbr2 = nbr_list.reshape(N, M).astype(jnp.int32)

    inv = 1.0 / jnp.sqrt(jnp.float32(1.0 + _EPS))
    log2e = jnp.float32(1.4426950408889634)
    s_a = gamma_a * inv
    t_a = (beta_a + b_core * gamma_a * inv).reshape(1, F)
    s_b = (gamma_b * inv * (1.0 / M)).reshape(1, F)
    t_b = jnp.broadcast_to(beta_b.reshape(1, F), (1, F))

    Wc_self = (W_core[0:F] * s_a[None, :]).astype(jnp.bfloat16)
    Wc_nbr = W_core[F:2 * F] * s_a[None, :]
    Wc_bond = (W_core[2 * F:] * s_a[None, :]).astype(jnp.bfloat16)
    wf_nbr128 = jnp.broadcast_to(W_filter[F:2 * F] * log2e, (F, F))
    wf_bond128 = jnp.broadcast_to(W_filter[2 * F:] * log2e, (Fb, F)).astype(jnp.bfloat16)

    Dg = F
    table = pl.pallas_call(
        _k1_body,
        grid=(N // _BN1,),
        in_specs=[
            pl.BlockSpec((_BN1, F), lambda i: (i, 0)),
            pl.BlockSpec((F, F), lambda i: (0, 0)),
            pl.BlockSpec((F, F), lambda i: (0, 0)),
        ],
        out_specs=pl.BlockSpec((_BN1, Dg), lambda i: (i, 0)),
        out_shape=jax.ShapeDtypeStruct((N, Dg), jnp.int32),
    )(atom2, Wc_nbr, wf_nbr128)

    splits = [(0, 3400, 200), (3400, 3400, 200), (6800, 3200, 200)]
    Eb = _BN2 * M
    outs = []
    for n0, Nh, chunk in splits:
        b0 = n0 // _BN2
        idx_h = nbr2[n0:n0 + Nh].reshape(Nh * M)
        gh = _sc_gather(table, idx_h, 0, Nh * M, Dg, chunk)
        oh = pl.pallas_call(
            _k2_body,
            grid=(Nh // _BN2,),
            in_specs=[
                pl.BlockSpec((_BN2, F), lambda i, b0=b0: (i + b0, 0)),
                pl.BlockSpec((Eb, Dg), lambda i: (i, 0)),
                pl.BlockSpec((Eb, Fb), lambda i, b0=b0: (i + b0, 0)),
                pl.BlockSpec((F, F), lambda i: (0, 0)),
                pl.BlockSpec((Fb, F), lambda i: (0, 0)),
                pl.BlockSpec((Fb, F), lambda i: (0, 0)),
                pl.BlockSpec((1, F), lambda i: (0, 0)),
                pl.BlockSpec((1, F), lambda i: (0, 0)),
                pl.BlockSpec((1, F), lambda i: (0, 0)),
            ],
            out_specs=pl.BlockSpec((_BN2, F), lambda i: (i, 0)),
            out_shape=jax.ShapeDtypeStruct((Nh, F), jnp.float32),
            compiler_params=pltpu.CompilerParams(
                dimension_semantics=("parallel",)),
        )(atom2, gh, bond2, Wc_self, Wc_bond, wf_bond128, t_a, s_b, t_b)
        outs.append(oh)

    out2 = jnp.concatenate(outs, axis=0)
    return out2.reshape(B, N, F)

# --- scband reference (transcript-rebuilt; emitter-appended) ---
"""Pipeline reference for scband-cgcnnlayer-74156905332879 (READ-ONLY COPY).

The authoritative reference and input builder live on the scoring server;
editing this copy changes nothing except your own understanding.
"""

import jax, jax.numpy as jnp
import numpy as np

EPS = 1e-3  # keras BatchNormalization default epsilon

def setup_inputs(seed: int = 0) -> dict:
    key = jax.random.key(seed)
    ks = jax.random.split(key, 8)
    B, N, M, F, Fb = 1, 10000, 32, 128, 16
    Ftot = 2 * F + Fb  # 272
    atom_fea = jax.random.normal(ks[0], (B, N, F), dtype=jnp.float32)
    bond_fea = jax.random.normal(ks[1], (B, N, M, Fb), dtype=jnp.float32)
    nbr_list = jax.random.randint(ks[2], (B, N, M), 0, N, dtype=jnp.int64)
    # Dense layer params (glorot-ish scale)
    W_core = jax.random.normal(ks[3], (Ftot, F), dtype=jnp.float32) * (1.0 / np.sqrt(Ftot))
    b_core = jnp.zeros((F,), dtype=jnp.float32)
    W_filter = jax.random.normal(ks[4], (Ftot, 1), dtype=jnp.float32) * (1.0 / np.sqrt(Ftot))
    b_filter = jnp.zeros((1,), dtype=jnp.float32)
    # BatchNorm params (inference mode: moving_mean=0, moving_var=1)
    gamma_a = jnp.ones((F,), dtype=jnp.float32)
    beta_a = jnp.zeros((F,), dtype=jnp.float32)
    gamma_b = jnp.ones((F,), dtype=jnp.float32)
    beta_b = jnp.zeros((F,), dtype=jnp.float32)
    return {"atom_fea": atom_fea, "bond_fea": bond_fea, "nbr_list": nbr_list,
            "W_core": W_core, "b_core": b_core, "W_filter": W_filter, "b_filter": b_filter,
            "gamma_a": gamma_a, "beta_a": beta_a, "gamma_b": gamma_b, "beta_b": beta_b}

def _bn(x, gamma, beta):
    # inference-mode batchnorm: moving_mean=0, moving_var=1
    return (x - 0.0) / jnp.sqrt(1.0 + EPS) * gamma + beta

def reference(atom_fea, bond_fea, nbr_list, W_core, b_core, W_filter, b_filter,
              gamma_a, beta_a, gamma_b, beta_b):
    B, N, F = atom_fea.shape
    M = nbr_list.shape[-1]
    # _concat_nbrs: gather neighbor atom features per batch
    batch_idx = jnp.arange(B)[:, None, None]  # (B,1,1)
    atom_nbr_fea = atom_fea[batch_idx, nbr_list]  # (B,N,M,F) gather_nd
    self_fea = jnp.broadcast_to(atom_fea[:, :, None, :], (B, N, M, F))
    total_fea = jnp.concatenate([self_fea, atom_nbr_fea, bond_fea], axis=-1)  # (B,N,M,2F+Fb)
    nbr_core = total_fea @ W_core + b_core      # (B,N,M,F)
    nbr_filter = total_fea @ W_filter + b_filter  # (B,N,M,1)
    # use_bn=True -> BN on core
    nbr_core = _bn(nbr_core, gamma_a, beta_a)
    # permute (N,M,1)->(N,1,M), softmax over last axis, permute back == softmax over M axis
    nbr_filter = jax.nn.softmax(nbr_filter, axis=2)
    nbr_core = jax.nn.relu(nbr_core)
    nbr_sumed = jnp.mean(nbr_filter * nbr_core, axis=2)  # (B,N,F)
    nbr_sumed = _bn(nbr_sumed, gamma_b, beta_b)
    out = jax.nn.relu(atom_fea + nbr_sumed)
    return out

if __name__ == "__main__":
    import jax
    _d = setup_inputs()
    print(jax.jit(kernel)(*tuple(_d.values())))

</pallas_src>

<mosaic_0001>
#map = affine_map<(d0, d1) -> (0, 0)>
#map1 = affine_map<(d0, d1) -> (0)>
module attributes {stable_mosaic.version = 14 : i64} {
  func.func @k(%arg0: i32, %arg1: i32, %arg2: memref<10000x128xi32, #tpu.memory_space<hbm>>, %arg3: memref<102400xi32, #tpu.memory_space<hbm>>, %arg4: memref<102400x128xi32, #tpu.memory_space<hbm>>, %arg5: memref<200xi32, #tpu.memory_space<vmem>>, %arg6: memref<200xi32, #tpu.memory_space<vmem>>, %arg7: memref<200x128xi32, #tpu.memory_space<vmem>>, %arg8: memref<200x128xi32, #tpu.memory_space<vmem>>, %arg9: memref<!tpu.dma_semaphore, #tpu.memory_space<semaphore_mem>>, %arg10: memref<!tpu.dma_semaphore, #tpu.memory_space<semaphore_mem>>, %arg11: memref<!tpu.dma_semaphore, #tpu.memory_space<semaphore_mem>>, %arg12: memref<!tpu.dma_semaphore, #tpu.memory_space<semaphore_mem>>) attributes {dimension_semantics = [#tpu.dimension_semantics<core_parallel>, #tpu.dimension_semantics<subcore_parallel>], iteration_bounds = array<i64: 2, 16>, scalar_prefetch = 0 : i64, scratch_operands = 8 : i64, tpu.core_type = #tpu.core_type<sc_vector_subcore>, window_params = [{transform_indices = #map}, {transform_indices = #map1}, {transform_indices = #map}]} {
    %mul3A = arith.constant 2 : i32
    %mul3A_0 = arith.muli %arg1, %mul3A : i32
    %add3A = arith.addi %mul3A_0, %arg0 : i32
    %mul3A_1 = arith.constant 3200 : i32
    %mul3A_2 = arith.muli %add3A, %mul3A_1 : i32
    %add3A_3 = arith.constant 0 : i32
    %add3A_4 = arith.addi %add3A_3, %mul3A_2 : i32
    "tpu.region"() ({
      %run_scoped3A = tpu.sem_alloc : memref<!tpu.dma_semaphore, #tpu.memory_space<semaphore_mem>>
      %dma_start3A_27 = tpu.memref_slice %arg3[%add3A_4] : memref<102400xi32, #tpu.memory_space<hbm>> -> memref<200xi32, #tpu.memory_space<hbm>>
      %dma_start3A_28 = tpu.memref_slice %arg3[%add3A_4] : memref<102400xi32, #tpu.memory_space<hbm>> -> memref<200xi32, #tpu.memory_space<hbm>>
      tpu.enqueue_dma source(%dma_start3A_28 : memref<200xi32, #tpu.memory_space<hbm>>) target(%arg5 : memref<200xi32, #tpu.memory_space<vmem>>) target_semaphore(%run_scoped3A : memref<!tpu.dma_semaphore, #tpu.memory_space<semaphore_mem>>)
      %dma_wait3A_29 = tpu.memref_slice %arg3[%add3A_4] : memref<102400xi32, #tpu.memory_space<hbm>> -> memref<200xi32, #tpu.memory_space<hbm>>
      %dma_wait3A_30 = tpu.memref_slice %arg3[%add3A_4] : memref<102400xi32, #tpu.memory_space<hbm>> -> memref<200xi32, #tpu.memory_space<hbm>>
      tpu.wait_dma2 semaphore(%run_scoped3A : memref<!tpu.dma_semaphore, #tpu.memory_space<semaphore_mem>>) src(%dma_wait3A_30 : memref<200xi32, #tpu.memory_space<hbm>>) dst(%arg5 : memref<200xi32, #tpu.memory_space<vmem>>)
      tpu.yield
    }) : () -> ()
    %dma_start3A = arith.constant 0 : i32
    %dma_start3A_5 = arith.constant 0 : i32
    %dma_start3A_6 = tpu.memref_slice %arg2[%dma_start3A, %dma_start3A_5] : memref<10000x128xi32, #tpu.memory_space<hbm>> -> memref<10000x128xi32, #tpu.memory_space<hbm>>
    tpu.enqueue_indirect_dma source(%dma_start3A_6 : memref<10000x128xi32, #tpu.memory_space<hbm>>) target(%arg7 : memref<200x128xi32, #tpu.memory_space<vmem>>) offsets(%arg5 : memref<200xi32, #tpu.memory_space<vmem>>) semaphore(%arg9 : memref<!tpu.dma_semaphore, #tpu.memory_space<semaphore_mem>>)
    %add3A_7 = arith.constant 0 : i32
    %add3A_8 = arith.addi %add3A_7, %mul3A_2 : i32
    %add3A_9 = arith.constant 200 : i32
    %add3A_10 = arith.addi %add3A_8, %add3A_9 : i32
    "tpu.region"() ({
      %run_scoped3A = tpu.sem_alloc : memref<!tpu.dma_semaphore, #tpu.memory_space<semaphore_mem>>
      %dma_start3A_27 = tpu.memref_slice %arg3[%add3A_10] : memref<102400xi32, #tpu.memory_space<hbm>> -> memref<200xi32, #tpu.memory_space<hbm>>
      %dma_start3A_28 = tpu.memref_slice %arg3[%add3A_10] : memref<102400xi32, #tpu.memory_space<hbm>> -> memref<200xi32, #tpu.memory_space<hbm>>
      tpu.enqueue_dma source(%dma_start3A_28 : memref<200xi32, #tpu.memory_space<hbm>>) target(%arg6 : memref<200xi32, #tpu.memory_space<vmem>>) target_semaphore(%run_scoped3A : memref<!tpu.dma_semaphore, #tpu.memory_space<semaphore_mem>>)
      %dma_wait3A_29 = tpu.memref_slice %arg3[%add3A_10] : memref<102400xi32, #tpu.memory_space<hbm>> -> memref<200xi32, #tpu.memory_space<hbm>>
      %dma_wait3A_30 = tpu.memref_slice %arg3[%add3A_10] : memref<102400xi32, #tpu.memory_space<hbm>> -> memref<200xi32, #tpu.memory_space<hbm>>
      tpu.wait_dma2 semaphore(%run_scoped3A : memref<!tpu.dma_semaphore, #tpu.memory_space<semaphore_mem>>) src(%dma_wait3A_30 : memref<200xi32, #tpu.memory_space<hbm>>) dst(%arg6 : memref<200xi32, #tpu.memory_space<vmem>>)
      tpu.yield
    }) : () -> ()
    %dma_start3A_11 = arith.constant 0 : i32
    %dma_start3A_12 = arith.constant 0 : i32
    %dma_start3A_13 = tpu.memref_slice %arg2[%dma_start3A_11, %dma_start3A_12] : memref<10000x128xi32, #tpu.memory_space<hbm>> -> memref<10000x128xi32, #tpu.memory_space<hbm>>
    tpu.enqueue_indirect_dma source(%dma_start3A_13 : memref<10000x128xi32, #tpu.memory_space<hbm>>) target(%arg8 : memref<200x128xi32, #tpu.memory_space<vmem>>) offsets(%arg6 : memref<200xi32, #tpu.memory_space<vmem>>) semaphore(%arg10 : memref<!tpu.dma_semaphore, #tpu.memory_space<semaphore_mem>>)
    %scan3A = arith.constant 0 : i32
    %scan3A_14 = arith.constant 7 : i32
    %scan3A_15 = arith.addi %scan3A, %scan3A_14 : i32
    %scan3A_16 = arith.constant 1 : i32
    scf.for %scan3A_27 = %scan3A to %scan3A_15 step %scan3A_16  : i32 {
      %mul3A_28 = arith.constant 1 : i32
      %mul3A_29 = arith.muli %scan3A_27, %mul3A_28 : i32
      %add3A_30 = arith.constant 0 : i32
      %add3A_31 = arith.addi %add3A_30, %mul3A_29 : i32
      %mul3A_32 = arith.constant 2 : i32
      %mul3A_33 = arith.muli %mul3A_32, %add3A_31 : i32
      %mul3A_34 = arith.constant 200 : i32
      %mul3A_35 = arith.muli %mul3A_33, %mul3A_34 : i32
      %add3A_36 = arith.addi %mul3A_2, %mul3A_35 : i32
      %dma_wait3A_37 = arith.constant 0 : i32
      %dma_wait3A_38 = arith.constant 0 : i32
      %dma_wait3A_39 = tpu.memref_slice %arg2[%dma_wait3A_37, %dma_wait3A_38] : memref<10000x128xi32, #tpu.memory_space<hbm>> -> memref<10000x128xi32, #tpu.memory_space<hbm>>
      tpu.wait_indirect_dma semaphore(%arg9 : memref<!tpu.dma_semaphore, #tpu.memory_space<semaphore_mem>>) src(%dma_wait3A_39 : memref<10000x128xi32, #tpu.memory_space<hbm>>) dst(%arg7 : memref<200x128xi32, #tpu.memory_space<vmem>>)
      %dma_start3A_40 = arith.constant 0 : i32
      %dma_start3A_41 = tpu.memref_slice %arg4[%add3A_36, %dma_start3A_40] : memref<102400x128xi32, #tpu.memory_space<hbm>> -> memref<200x128xi32, #tpu.memory_space<hbm>>
      %dma_start3A_42 = arith.constant 0 : i32
      %dma_start3A_43 = tpu.memref_slice %arg4[%add3A_36, %dma_start3A_42] : memref<102400x128xi32, #tpu.memory_space<hbm>> -> memref<200x128xi32, #tpu.memory_space<hbm>>
      tpu.enqueue_dma source(%arg7 : memref<200x128xi32, #tpu.memory_space<vmem>>) target(%dma_start3A_43 : memref<200x128xi32, #tpu.memory_space<hbm>>) target_semaphore(%arg11 : memref<!tpu.dma_semaphore, #tpu.memory_space<semaphore_mem>>)
      %add3A_44 = arith.constant 0 : i32
      %add3A_45 = arith.addi %add3A_44, %add3A_36 : i32
      %add3A_46 = arith.constant 400 : i32
      %add3A_47 = arith.addi %add3A_45, %add3A_46 : i32
      "tpu.region"() ({
        %run_scoped3A = tpu.sem_alloc : memref<!tpu.dma_semaphore, #tpu.memory_space<semaphore_mem>>
        %dma_start3A_75 = tpu.memref_slice %arg3[%add3A_47] : memref<102400xi32, #tpu.memory_space<hbm>> -> memref<200xi32, #tpu.memory_space<hbm>>
        %dma_start3A_76 = tpu.memref_slice %arg3[%add3A_47] : memref<102400xi32, #tpu.memory_space<hbm>> -> memref<200xi32, #tpu.memory_space<hbm>>
        tpu.enqueue_dma source(%dma_start3A_76 : memref<200xi32, #tpu.memory_space<hbm>>) target(%arg5 : memref<200xi32, #tpu.memory_space<vmem>>) target_semaphore(%run_scoped3A : memref<!tpu.dma_semaphore, #tpu.memory_space<semaphore_mem>>)
        %dma_wait3A_77 = tpu.memref_slice %arg3[%add3A_47] : memref<102400xi32, #tpu.memory_space<hbm>> -> memref<200xi32, #tpu.memory_space<hbm>>
        %dma_wait3A_78 = tpu.memref_slice %arg3[%add3A_47] : memref<102400xi32, #tpu.memory_space<hbm>> -> memref<200xi32, #tpu.memory_space<hbm>>
        tpu.wait_dma2 semaphore(%run_scoped3A : memref<!tpu.dma_semaphore, #tpu.memory_space<semaphore_mem>>) src(%dma_wait3A_78 : memref<200xi32, #tpu.memory_space<hbm>>) dst(%arg5 : memref<200xi32, #tpu.memory_space<vmem>>)
        tpu.yield
      }) : () -> ()
      %dma_wait3A_48 = arith.constant 0 : i32
      %dma_wait3A_49 = tpu.memref_slice %arg4[%add3A_36, %dma_wait3A_48] : memref<102400x128xi32, #tpu.memory_space<hbm>> -> memref<200x128xi32, #tpu.memory_space<hbm>>
      %dma_wait3A_50 = arith.constant 0 : i32
      %dma_wait3A_51 = tpu.memref_slice %arg4[%add3A_36, %dma_wait3A_50] : memref<102400x128xi32, #tpu.memory_space<hbm>> -> memref<200x128xi32, #tpu.memory_space<hbm>>
      tpu.wait_dma2 semaphore(%arg11 : memref<!tpu.dma_semaphore, #tpu.memory_space<semaphore_mem>>) src(%arg7 : memref<200x128xi32, #tpu.memory_space<vmem>>) dst(%dma_wait3A_51 : memref<200x128xi32, #tpu.memory_space<hbm>>)
      %dma_start3A_52 = arith.constant 0 : i32
      %dma_start3A_53 = arith.constant 0 : i32
      %dma_start3A_54 = tpu.memref_slice %arg2[%dma_start3A_52, %dma_start3A_53] : memref<10000x128xi32, #tpu.memory_space<hbm>> -> memref<10000x128xi32, #tpu.memory_space<hbm>>
      tpu.enqueue_indirect_dma source(%dma_start3A_54 : memref<10000x128xi32, #tpu.memory_space<hbm>>) target(%arg7 : memref<200x128xi32, #tpu.memory_space<vmem>>) offsets(%arg5 : memref<200xi32, #tpu.memory_space<vmem>>) semaphore(%arg9 : memref<!tpu.dma_semaphore, #tpu.memory_space<semaphore_mem>>)
      %add3A_55 = arith.constant 200 : i32
      %add3A_56 = arith.addi %add3A_36, %add3A_55 : i32
      %dma_wait3A_57 = arith.constant 0 : i32
      %dma_wait3A_58 = arith.constant 0 : i32
      %dma_wait3A_59 = tpu.memref_slice %arg2[%dma_wait3A_57, %dma_wait3A_58] : memref<10000x128xi32, #tpu.memory_space<hbm>> -> memref<10000x128xi32, #tpu.memory_space<hbm>>
      tpu.wait_indirect_dma semaphore(%arg10 : memref<!tpu.dma_semaphore, #tpu.memory_space<semaphore_mem>>) src(%dma_wait3A_59 : memref<10000x128xi32, #tpu.memory_space<hbm>>) dst(%arg8 : memref<200x128xi32, #tpu.memory_space<vmem>>)
      %dma_start3A_60 = arith.constant 0 : i32
      %dma_start3A_61 = tpu.memref_slice %arg4[%add3A_56, %dma_start3A_60] : memref<102400x128xi32, #tpu.memory_space<hbm>> -> memref<200x128xi32, #tpu.memory_space<hbm>>
      %dma_start3A_62 = arith.constant 0 : i32
      %dma_start3A_63 = tpu.memref_slice %arg4[%add3A_56, %dma_start3A_62] : memref<102400x128xi32, #tpu.memory_space<hbm>> -> memref<200x128xi32, #tpu.memory_space<hbm>>
      tpu.enqueue_dma source(%arg8 : memref<200x128xi32, #tpu.memory_space<vmem>>) target(%dma_start3A_63 : memref<200x128xi32, #tpu.memory_space<hbm>>) target_semaphore(%arg12 : memref<!tpu.dma_semaphore, #tpu.memory_space<semaphore_mem>>)
      %add3A_64 = arith.constant 0 : i32
      %add3A_65 = arith.addi %add3A_64, %add3A_56 : i32
      %add3A_66 = arith.constant 400 : i32
      %add3A_67 = arith.addi %add3A_65, %add3A_66 : i32
      "tpu.region"() ({
        %run_scoped3A = tpu.sem_alloc : memref<!tpu.dma_semaphore, #tpu.memory_space<semaphore_mem>>
        %dma_start3A_75 = tpu.memref_slice %arg3[%add3A_67] : memref<102400xi32, #tpu.memory_space<hbm>> -> memref<200xi32, #tpu.memory_space<hbm>>
        %dma_start3A_76 = tpu.memref_slice %arg3[%add3A_67] : memref<102400xi32, #tpu.memory_space<hbm>> -> memref<200xi32, #tpu.memory_space<hbm>>
        tpu.enqueue_dma source(%dma_start3A_76 : memref<200xi32, #tpu.memory_space<hbm>>) target(%arg6 : memref<200xi32, #tpu.memory_space<vmem>>) target_semaphore(%run_scoped3A : memref<!tpu.dma_semaphore, #tpu.memory_space<semaphore_mem>>)
        %dma_wait3A_77 = tpu.memref_slice %arg3[%add3A_67] : memref<102400xi32, #tpu.memory_space<hbm>> -> memref<200xi32, #tpu.memory_space<hbm>>
        %dma_wait3A_78 = tpu.memref_slice %arg3[%add3A_67] : memref<102400xi32, #tpu.memory_space<hbm>> -> memref<200xi32, #tpu.memory_space<hbm>>
        tpu.wait_dma2 semaphore(%run_scoped3A : memref<!tpu.dma_semaphore, #tpu.memory_space<semaphore_mem>>) src(%dma_wait3A_78 : memref<200xi32, #tpu.memory_space<hbm>>) dst(%arg6 : memref<200xi32, #tpu.memory_space<vmem>>)
        tpu.yield
      }) : () -> ()
      %dma_wait3A_68 = arith.constant 0 : i32
      %dma_wait3A_69 = tpu.memref_slice %arg4[%add3A_56, %dma_wait3A_68] : memref<102400x128xi32, #tpu.memory_space<hbm>> -> memref<200x128xi32, #tpu.memory_space<hbm>>
      %dma_wait3A_70 = arith.constant 0 : i32
      %dma_wait3A_71 = tpu.memref_slice %arg4[%add3A_56, %dma_wait3A_70] : memref<102400x128xi32, #tpu.memory_space<hbm>> -> memref<200x128xi32, #tpu.memory_space<hbm>>
      tpu.wait_dma2 semaphore(%arg12 : memref<!tpu.dma_semaphore, #tpu.memory_space<semaphore_mem>>) src(%arg8 : memref<200x128xi32, #tpu.memory_space<vmem>>) dst(%dma_wait3A_71 : memref<200x128xi32, #tpu.memory_space<hbm>>)
      %dma_start3A_72 = arith.constant 0 : i32
      %dma_start3A_73 = arith.constant 0 : i32
      %dma_start3A_74 = tpu.memref_slice %arg2[%dma_start3A_72, %dma_start3A_73] : memref<10000x128xi32, #tpu.memory_space<hbm>> -> memref<10000x128xi32, #tpu.memory_space<hbm>>
      tpu.enqueue_indirect_dma source(%dma_start3A_74 : memref<10000x128xi32, #tpu.memory_space<hbm>>) target(%arg8 : memref<200x128xi32, #tpu.memory_space<vmem>>) offsets(%arg6 : memref<200xi32, #tpu.memory_space<vmem>>) semaphore(%arg10 : memref<!tpu.dma_semaphore, #tpu.memory_space<semaphore_mem>>)
    }
    %scan3A_17 = arith.constant 7 : i32
    %dma_wait3A = arith.constant 0 : i32
    %dma_wait3A_18 = arith.constant 0 : i32
    %dma_wait3A_19 = tpu.memref_slice %arg2[%dma_wait3A, %dma_wait3A_18] : memref<10000x128xi32, #tpu.memory_space<hbm>> -> memref<10000x128xi32, #tpu.memory_space<hbm>>
    tpu.wait_indirect_dma semaphore(%arg9 : memref<!tpu.dma_semaphore, #tpu.memory_space<semaphore_mem>>) src(%dma_wait3A_19 : memref<10000x128xi32, #tpu.memory_space<hbm>>) dst(%arg7 : memref<200x128xi32, #tpu.memory_space<vmem>>)
    %add3A_20 = arith.constant 2800 : i32
    %add3A_21 = arith.addi %mul3A_2, %add3A_20 : i32
    "tpu.region"() ({
      %run_scoped3A = tpu.sem_alloc : memref<!tpu.dma_semaphore, #tpu.memory_space<semaphore_mem>>
      %dma_start3A_27 = arith.constant 0 : i32
      %dma_start3A_28 = tpu.memref_slice %arg4[%add3A_21, %dma_start3A_27] : memref<102400x128xi32, #tpu.memory_space<hbm>> -> memref<200x128xi32, #tpu.memory_space<hbm>>
      %dma_start3A_29 = arith.constant 0 : i32
      %dma_start3A_30 = tpu.memref_slice %arg4[%add3A_21, %dma_start3A_29] : memref<102400x128xi32, #tpu.memory_space<hbm>> -> memref<200x128xi32, #tpu.memory_space<hbm>>
      tpu.enqueue_dma source(%arg7 : memref<200x128xi32, #tpu.memory_space<vmem>>) target(%dma_start3A_30 : memref<200x128xi32, #tpu.memory_space<hbm>>) target_semaphore(%run_scoped3A : memref<!tpu.dma_semaphore, #tpu.memory_space<semaphore_mem>>)
      %dma_wait3A_31 = arith.constant 0 : i32
      %dma_wait3A_32 = tpu.memref_slice %arg4[%add3A_21, %dma_wait3A_31] : memref<102400x128xi32, #tpu.memory_space<hbm>> -> memref<200x128xi32, #tpu.memory_space<hbm>>
      %dma_wait3A_33 = arith.constant 0 : i32
      %dma_wait3A_34 = tpu.memref_slice %arg4[%add3A_21, %dma_wait3A_33] : memref<102400x128xi32, #tpu.memory_space<hbm>> -> memref<200x128xi32, #tpu.memory_space<hbm>>
      tpu.wait_dma2 semaphore(%run_scoped3A : memref<!tpu.dma_semaphore, #tpu.memory_space<semaphore_mem>>) src(%arg7 : memref<200x128xi32, #tpu.memory_space<vmem>>) dst(%dma_wait3A_34 : memref<200x128xi32, #tpu.memory_space<hbm>>)
      tpu.yield
    }) : () -> ()
    %dma_wait3A_22 = arith.constant 0 : i32
    %dma_wait3A_23 = arith.constant 0 : i32
    %dma_wait3A_24 = tpu.memref_slice %arg2[%dma_wait3A_22, %dma_wait3A_23] : memref<10000x128xi32, #tpu.memory_space<hbm>> -> memref<10000x128xi32, #tpu.memory_space<hbm>>
    tpu.wait_indirect_dma semaphore(%arg10 : memref<!tpu.dma_semaphore, #tpu.memory_space<semaphore_mem>>) src(%dma_wait3A_24 : memref<10000x128xi32, #tpu.memory_space<hbm>>) dst(%arg8 : memref<200x128xi32, #tpu.memory_space<vmem>>)
    %add3A_25 = arith.constant 3000 : i32
    %add3A_26 = arith.addi %mul3A_2, %add3A_25 : i32
    "tpu.region"() ({
      %run_scoped3A = tpu.sem_alloc : memref<!tpu.dma_semaphore, #tpu.memory_space<semaphore_mem>>
      %dma_start3A_27 = arith.constant 0 : i32
      %dma_start3A_28 = tpu.memref_slice %arg4[%add3A_26, %dma_start3A_27] : memref<102400x128xi32, #tpu.memory_space<hbm>> -> memref<200x128xi32, #tpu.memory_space<hbm>>
      %dma_start3A_29 = arith.constant 0 : i32
      %dma_start3A_30 = tpu.memref_slice %arg4[%add3A_26, %dma_start3A_29] : memref<102400x128xi32, #tpu.memory_space<hbm>> -> memref<200x128xi32, #tpu.memory_space<hbm>>
      tpu.enqueue_dma source(%arg8 : memref<200x128xi32, #tpu.memory_space<vmem>>) target(%dma_start3A_30 : memref<200x128xi32, #tpu.memory_space<hbm>>) target_semaphore(%run_scoped3A : memref<!tpu.dma_semaphore, #tpu.memory_space<semaphore_mem>>)
      %dma_wait3A_31 = arith.constant 0 : i32
      %dma_wait3A_32 = tpu.memref_slice %arg4[%add3A_26, %dma_wait3A_31] : memref<102400x128xi32, #tpu.memory_space<hbm>> -> memref<200x128xi32, #tpu.memory_space<hbm>>
      %dma_wait3A_33 = arith.constant 0 : i32
      %dma_wait3A_34 = tpu.memref_slice %arg4[%add3A_26, %dma_wait3A_33] : memref<102400x128xi32, #tpu.memory_space<hbm>> -> memref<200x128xi32, #tpu.memory_space<hbm>>
      tpu.wait_dma2 semaphore(%run_scoped3A : memref<!tpu.dma_semaphore, #tpu.memory_space<semaphore_mem>>) src(%arg8 : memref<200x128xi32, #tpu.memory_space<vmem>>) dst(%dma_wait3A_34 : memref<200x128xi32, #tpu.memory_space<hbm>>)
      tpu.yield
    }) : () -> ()
    return
  }
}

#map = affine_map<(d0, d1) -> (0, 0)>
#map1 = affine_map<(d0, d1) -> (0)>
module attributes {stable_mosaic.version = 14 : i64} {
  func.func @k(%arg0: i32, %arg1: i32, %arg2: memref<10000x128xi32, #tpu.memory_space<hbm>>, %arg3: memref<108800xi32, #tpu.memory_space<hbm>>, %arg4: memref<108800x128xi32, #tpu.memory_space<hbm>>, %arg5: memref<200xi32, #tpu.memory_space<vmem>>, %arg6: memref<200xi32, #tpu.memory_space<vmem>>, %arg7: memref<200x128xi32, #tpu.memory_space<vmem>>, %arg8: memref<200x128xi32, #tpu.memory_space<vmem>>, %arg9: memref<!tpu.dma_semaphore, #tpu.memory_space<semaphore_mem>>, %arg10: memref<!tpu.dma_semaphore, #tpu.memory_space<semaphore_mem>>, %arg11: memref<!tpu.dma_semaphore, #tpu.memory_space<semaphore_mem>>, %arg12: memref<!tpu.dma_semaphore, #tpu.memory_space<semaphore_mem>>) attributes {dimension_semantics = [#tpu.dimension_semantics<core_parallel>, #tpu.dimension_semantics<subcore_parallel>], iteration_bounds = array<i64: 2, 16>, scalar_prefetch = 0 : i64, scratch_operands = 8 : i64, tpu.core_type = #tpu.core_type<sc_vector_subcore>, window_params = [{transform_indices = #map}, {transform_indices = #map1}, {transform_indices = #map}]} {
    %mul3A = arith.constant 2 : i32
    %mul3A_0 = arith.muli %arg1, %mul3A : i32
    %add3A = arith.addi %mul3A_0, %arg0 : i32
    %mul3A_1 = arith.constant 3400 : i32
    %mul3A_2 = arith.muli %add3A, %mul3A_1 : i32
    %add3A_3 = arith.constant 0 : i32
    %add3A_4 = arith.addi %add3A_3, %mul3A_2 : i32
    "tpu.region"() ({
      %run_scoped3A = tpu.sem_alloc : memref<!tpu.dma_semaphore, #tpu.memory_space<semaphore_mem>>
      %dma_start3A_39 = tpu.memref_slice %arg3[%add3A_4] : memref<108800xi32, #tpu.memory_space<hbm>> -> memref<200xi32, #tpu.memory_space<hbm>>
      %dma_start3A_40 = tpu.memref_slice %arg3[%add3A_4] : memref<108800xi32, #tpu.memory_space<hbm>> -> memref<200xi32, #tpu.memory_space<hbm>>
      tpu.enqueue_dma source(%dma_start3A_40 : memref<200xi32, #tpu.memory_space<hbm>>) target(%arg5 : memref<200xi32, #tpu.memory_space<vmem>>) target_semaphore(%run_scoped3A : memref<!tpu.dma_semaphore, #tpu.memory_space<semaphore_mem>>)
      %dma_wait3A_41 = tpu.memref_slice %arg3[%add3A_4] : memref<108800xi32, #tpu.memory_space<hbm>> -> memref<200xi32, #tpu.memory_space<hbm>>
      %dma_wait3A_42 = tpu.memref_slice %arg3[%add3A_4] : memref<108800xi32, #tpu.memory_space<hbm>> -> memref<200xi32, #tpu.memory_space<hbm>>
      tpu.wait_dma2 semaphore(%run_scoped3A : memref<!tpu.dma_semaphore, #tpu.memory_space<semaphore_mem>>) src(%dma_wait3A_42 : memref<200xi32, #tpu.memory_space<hbm>>) dst(%arg5 : memref<200xi32, #tpu.memory_space<vmem>>)
      tpu.yield
    }) : () -> ()
    %dma_start3A = arith.constant 0 : i32
    %dma_start3A_5 = arith.constant 0 : i32
    %dma_start3A_6 = tpu.memref_slice %arg2[%dma_start3A, %dma_start3A_5] : memref<10000x128xi32, #tpu.memory_space<hbm>> -> memref<10000x128xi32, #tpu.memory_space<hbm>>
    tpu.enqueue_indirect_dma source(%dma_start3A_6 : memref<10000x128xi32, #tpu.memory_space<hbm>>) target(%arg7 : memref<200x128xi32, #tpu.memory_space<vmem>>) offsets(%arg5 : memref<200xi32, #tpu.memory_space<vmem>>) semaphore(%arg9 : memref<!tpu.dma_semaphore, #tpu.memory_space<semaphore_mem>>)
    %add3A_7 = arith.constant 0 : i32
    %add3A_8 = arith.addi %add3A_7, %mul3A_2 : i32
    %add3A_9 = arith.constant 200 : i32
    %add3A_10 = arith.addi %add3A_8, %add3A_9 : i32
    "tpu.region"() ({
      %run_scoped3A = tpu.sem_alloc : memref<!tpu.dma_semaphore, #tpu.memory_space<semaphore_mem>>
      %dma_start3A_39 = tpu.memref_slice %arg3[%add3A_10] : memref<108800xi32, #tpu.memory_space<hbm>> -> memref<200xi32, #tpu.memory_space<hbm>>
      %dma_start3A_40 = tpu.memref_slice %arg3[%add3A_10] : memref<108800xi32, #tpu.memory_space<hbm>> -> memref<200xi32, #tpu.memory_space<hbm>>
      tpu.enqueue_dma source(%dma_start3A_40 : memref<200xi32, #tpu.memory_space<hbm>>) target(%arg6 : memref<200xi32, #tpu.memory_space<vmem>>) target_semaphore(%run_scoped3A : memref<!tpu.dma_semaphore, #tpu.memory_space<semaphore_mem>>)
      %dma_wait3A_41 = tpu.memref_slice %arg3[%add3A_10] : memref<108800xi32, #tpu.memory_space<hbm>> -> memref<200xi32, #tpu.memory_space<hbm>>
      %dma_wait3A_42 = tpu.memref_slice %arg3[%add3A_10] : memref<108800xi32, #tpu.memory_space<hbm>> -> memref<200xi32, #tpu.memory_space<hbm>>
      tpu.wait_dma2 semaphore(%run_scoped3A : memref<!tpu.dma_semaphore, #tpu.memory_space<semaphore_mem>>) src(%dma_wait3A_42 : memref<200xi32, #tpu.memory_space<hbm>>) dst(%arg6 : memref<200xi32, #tpu.memory_space<vmem>>)
      tpu.yield
    }) : () -> ()
    %dma_start3A_11 = arith.constant 0 : i32
    %dma_start3A_12 = arith.constant 0 : i32
    %dma_start3A_13 = tpu.memref_slice %arg2[%dma_start3A_11, %dma_start3A_12] : memref<10000x128xi32, #tpu.memory_space<hbm>> -> memref<10000x128xi32, #tpu.memory_space<hbm>>
    tpu.enqueue_indirect_dma source(%dma_start3A_13 : memref<10000x128xi32, #tpu.memory_space<hbm>>) target(%arg8 : memref<200x128xi32, #tpu.memory_space<vmem>>) offsets(%arg6 : memref<200xi32, #tpu.memory_space<vmem>>) semaphore(%arg10 : memref<!tpu.dma_semaphore, #tpu.memory_space<semaphore_mem>>)
    %scan3A = arith.constant 0 : i32
    %scan3A_14 = arith.constant 7 : i32
    %scan3A_15 = arith.addi %scan3A, %scan3A_14 : i32
    %scan3A_16 = arith.constant 1 : i32
    scf.for %scan3A_39 = %scan3A to %scan3A_15 step %scan3A_16  : i32 {
      %mul3A_40 = arith.constant 1 : i32
      %mul3A_41 = arith.muli %scan3A_39, %mul3A_40 : i32
      %add3A_42 = arith.constant 0 : i32
      %add3A_43 = arith.addi %add3A_42, %mul3A_41 : i32
      %mul3A_44 = arith.constant 2 : i32
      %mul3A_45 = arith.muli %mul3A_44, %add3A_43 : i32
      %mul3A_46 = arith.constant 200 : i32
      %mul3A_47 = arith.muli %mul3A_45, %mul3A_46 : i32
      %add3A_48 = arith.addi %mul3A_2, %mul3A_47 : i32
      %dma_wait3A_49 = arith.constant 0 : i32
      %dma_wait3A_50 = arith.constant 0 : i32
      %dma_wait3A_51 = tpu.memref_slice %arg2[%dma_wait3A_49, %dma_wait3A_50] : memref<10000x128xi32, #tpu.memory_space<hbm>> -> memref<10000x128xi32, #tpu.memory_space<hbm>>
      tpu.wait_indirect_dma semaphore(%arg9 : memref<!tpu.dma_semaphore, #tpu.memory_space<semaphore_mem>>) src(%dma_wait3A_51 : memref<10000x128xi32, #tpu.memory_space<hbm>>) dst(%arg7 : memref<200x128xi32, #tpu.memory_space<vmem>>)
      %dma_start3A_52 = arith.constant 0 : i32
      %dma_start3A_53 = tpu.memref_slice %arg4[%add3A_48, %dma_start3A_52] : memref<108800x128xi32, #tpu.memory_space<hbm>> -> memref<200x128xi32, #tpu.memory_space<hbm>>
      %dma_start3A_54 = arith.constant 0 : i32
      %dma_start3A_55 = tpu.memref_slice %arg4[%add3A_48, %dma_start3A_54] : memref<108800x128xi32, #tpu.memory_space<hbm>> -> memref<200x128xi32, #tpu.memory_space<hbm>>
      tpu.enqueue_dma source(%arg7 : memref<200x128xi32, #tpu.memory_space<vmem>>) target(%dma_start3A_55 : memref<200x128xi32, #tpu.memory_space<hbm>>) target_semaphore(%arg11 : memref<!tpu.dma_semaphore, #tpu.memory_space<semaphore_mem>>)
      %add3A_56 = arith.constant 0 : i32
      %add3A_57 = arith.addi %add3A_56, %add3A_48 : i32
      %add3A_58 = arith.constant 400 : i32
      %add3A_59 = arith.addi %add3A_57, %add3A_58 : i32
      "tpu.region"() ({
        %run_scoped3A = tpu.sem_alloc : memref<!tpu.dma_semaphore, #tpu.memory_space<semaphore_mem>>
        %dma_start3A_87 = tpu.memref_slice %arg3[%add3A_59] : memref<108800xi32, #tpu.memory_space<hbm>> -> memref<200xi32, #tpu.memory_space<hbm>>
        %dma_start3A_88 = tpu.memref_slice %arg3[%add3A_59] : memref<108800xi32, #tpu.memory_space<hbm>> -> memref<200xi32, #tpu.memory_space<hbm>>
        tpu.enqueue_dma source(%dma_start3A_88 : memref<200xi32, #tpu.memory_space<hbm>>) target(%arg5 : memref<200xi32, #tpu.memory_space<vmem>>) target_semaphore(%run_scoped3A : memref<!tpu.dma_semaphore, #tpu.memory_space<semaphore_mem>>)
        %dma_wait3A_89 = tpu.memref_slice %arg3[%add3A_59] : memref<108800xi32, #tpu.memory_space<hbm>> -> memref<200xi32, #tpu.memory_space<hbm>>
        %dma_wait3A_90 = tpu.memref_slice %arg3[%add3A_59] : memref<108800xi32, #tpu.memory_space<hbm>> -> memref<200xi32, #tpu.memory_space<hbm>>
        tpu.wait_dma2 semaphore(%run_scoped3A : memref<!tpu.dma_semaphore, #tpu.memory_space<semaphore_mem>>) src(%dma_wait3A_90 : memref<200xi32, #tpu.memory_space<hbm>>) dst(%arg5 : memref<200xi32, #tpu.memory_space<vmem>>)
        tpu.yield
      }) : () -> ()
      %dma_wait3A_60 = arith.constant 0 : i32
      %dma_wait3A_61 = tpu.memref_slice %arg4[%add3A_48, %dma_wait3A_60] : memref<108800x128xi32, #tpu.memory_space<hbm>> -> memref<200x128xi32, #tpu.memory_space<hbm>>
      %dma_wait3A_62 = arith.constant 0 : i32
      %dma_wait3A_63 = tpu.memref_slice %arg4[%add3A_48, %dma_wait3A_62] : memref<108800x128xi32, #tpu.memory_space<hbm>> -> memref<200x128xi32, #tpu.memory_space<hbm>>
      tpu.wait_dma2 semaphore(%arg11 : memref<!tpu.dma_semaphore, #tpu.memory_space<semaphore_mem>>) src(%arg7 : memref<200x128xi32, #tpu.memory_space<vmem>>) dst(%dma_wait3A_63 : memref<200x128xi32, #tpu.memory_space<hbm>>)
      %dma_start3A_64 = arith.constant 0 : i32
      %dma_start3A_65 = arith.constant 0 : i32
      %dma_start3A_66 = tpu.memref_slice %arg2[%dma_start3A_64, %dma_start3A_65] : memref<10000x128xi32, #tpu.memory_space<hbm>> -> memref<10000x128xi32, #tpu.memory_space<hbm>>
      tpu.enqueue_indirect_dma source(%dma_start3A_66 : memref<10000x128xi32, #tpu.memory_space<hbm>>) target(%arg7 : memref<200x128xi32, #tpu.memory_space<vmem>>) offsets(%arg5 : memref<200xi32, #tpu.memory_space<vmem>>) semaphore(%arg9 : memref<!tpu.dma_semaphore, #tpu.memory_space<semaphore_mem>>)
      %add3A_67 = arith.constant 200 : i32
      %add3A_68 = arith.addi %add3A_48, %add3A_67 : i32
      %dma_wait3A_69 = arith.constant 0 : i32
      %dma_wait3A_70 = arith.constant 0 : i32
      %dma_wait3A_71 = tpu.memref_slice %arg2[%dma_wait3A_69, %dma_wait3A_70] : memref<10000x128xi32, #tpu.memory_space<hbm>> -> memref<10000x128xi32, #tpu.memory_space<hbm>>
      tpu.wait_indirect_dma semaphore(%arg10 : memref<!tpu.dma_semaphore, #tpu.memory_space<semaphore_mem>>) src(%dma_wait3A_71 : memref<10000x128xi32, #tpu.memory_space<hbm>>) dst(%arg8 : memref<200x128xi32, #tpu.memory_space<vmem>>)
      %dma_start3A_72 = arith.constant 0 : i32
      %dma_start3A_73 = tpu.memref_slice %arg4[%add3A_68, %dma_start3A_72] : memref<108800x128xi32, #tpu.memory_space<hbm>> -> memref<200x128xi32, #tpu.memory_space<hbm>>
      %dma_start3A_74 = arith.constant 0 : i32
      %dma_start3A_75 = tpu.memref_slice %arg4[%add3A_68, %dma_start3A_74] : memref<108800x128xi32, #tpu.memory_space<hbm>> -> memref<200x128xi32, #tpu.memory_space<hbm>>
      tpu.enqueue_dma source(%arg8 : memref<200x128xi32, #tpu.memory_space<vmem>>) target(%dma_start3A_75 : memref<200x128xi32, #tpu.memory_space<hbm>>) target_semaphore(%arg12 : memref<!tpu.dma_semaphore, #tpu.memory_space<semaphore_mem>>)
      %add3A_76 = arith.constant 0 : i32
      %add3A_77 = arith.addi %add3A_76, %add3A_68 : i32
      %add3A_78 = arith.constant 400 : i32
      %add3A_79 = arith.addi %add3A_77, %add3A_78 : i32
      "tpu.region"() ({
        %run_scoped3A = tpu.sem_alloc : memref<!tpu.dma_semaphore, #tpu.memory_space<semaphore_mem>>
        %dma_start3A_87 = tpu.memref_slice %arg3[%add3A_79] : memref<108800xi32, #tpu.memory_space<hbm>> -> memref<200xi32, #tpu.memory_space<hbm>>
        %dma_start3A_88 = tpu.memref_slice %arg3[%add3A_79] : memref<108800xi32, #tpu.memory_space<hbm>> -> memref<200xi32, #tpu.memory_space<hbm>>
        tpu.enqueue_dma source(%dma_start3A_88 : memref<200xi32, #tpu.memory_space<hbm>>) target(%arg6 : memref<200xi32, #tpu.memory_space<vmem>>) target_semaphore(%run_scoped3A : memref<!tpu.dma_semaphore, #tpu.memory_space<semaphore_mem>>)
        %dma_wait3A_89 = tpu.memref_slice %arg3[%add3A_79] : memref<108800xi32, #tpu.memory_space<hbm>> -> memref<200xi32, #tpu.memory_space<hbm>>
        %dma_wait3A_90 = tpu.memref_slice %arg3[%add3A_79] : memref<108800xi32, #tpu.memory_space<hbm>> -> memref<200xi32, #tpu.memory_space<hbm>>
        tpu.wait_dma2 semaphore(%run_scoped3A : memref<!tpu.dma_semaphore, #tpu.memory_space<semaphore_mem>>) src(%dma_wait3A_90 : memref<200xi32, #tpu.memory_space<hbm>>) dst(%arg6 : memref<200xi32, #tpu.memory_space<vmem>>)
        tpu.yield
      }) : () -> ()
      %dma_wait3A_80 = arith.constant 0 : i32
      %dma_wait3A_81 = tpu.memref_slice %arg4[%add3A_68, %dma_wait3A_80] : memref<108800x128xi32, #tpu.memory_space<hbm>> -> memref<200x128xi32, #tpu.memory_space<hbm>>
      %dma_wait3A_82 = arith.constant 0 : i32
      %dma_wait3A_83 = tpu.memref_slice %arg4[%add3A_68, %dma_wait3A_82] : memref<108800x128xi32, #tpu.memory_space<hbm>> -> memref<200x128xi32, #tpu.memory_space<hbm>>
      tpu.wait_dma2 semaphore(%arg12 : memref<!tpu.dma_semaphore, #tpu.memory_space<semaphore_mem>>) src(%arg8 : memref<200x128xi32, #tpu.memory_space<vmem>>) dst(%dma_wait3A_83 : memref<200x128xi32, #tpu.memory_space<hbm>>)
      %dma_start3A_84 = arith.constant 0 : i32
      %dma_start3A_85 = arith.constant 0 : i32
      %dma_start3A_86 = tpu.memref_slice %arg2[%dma_start3A_84, %dma_start3A_85] : memref<10000x128xi32, #tpu.memory_space<hbm>> -> memref<10000x128xi32, #tpu.memory_space<hbm>>
      tpu.enqueue_indirect_dma source(%dma_start3A_86 : memref<10000x128xi32, #tpu.memory_space<hbm>>) target(%arg8 : memref<200x128xi32, #tpu.memory_space<vmem>>) offsets(%arg6 : memref<200xi32, #tpu.memory_space<vmem>>) semaphore(%arg10 : memref<!tpu.dma_semaphore, #tpu.memory_space<semaphore_mem>>)
    }
    %scan3A_17 = arith.constant 7 : i32
    %add3A_18 = arith.constant 2800 : i32
    %add3A_19 = arith.addi %mul3A_2, %add3A_18 : i32
    %dma_wait3A = arith.constant 0 : i32
    %dma_wait3A_20 = arith.constant 0 : i32
    %dma_wait3A_21 = tpu.memref_slice %arg2[%dma_wait3A, %dma_wait3A_20] : memref<10000x128xi32, #tpu.memory_space<hbm>> -> memref<10000x128xi32, #tpu.memory_space<hbm>>
    tpu.wait_indirect_dma semaphore(%arg9 : memref<!tpu.dma_semaphore, #tpu.memory_space<semaphore_mem>>) src(%dma_wait3A_21 : memref<10000x128xi32, #tpu.memory_space<hbm>>) dst(%arg7 : memref<200x128xi32, #tpu.memory_space<vmem>>)
    "tpu.region"() ({
      %run_scoped3A = tpu.sem_alloc : memref<!tpu.dma_semaphore, #tpu.memory_space<semaphore_mem>>
      %dma_start3A_39 = arith.constant 0 : i32
      %dma_start3A_40 = tpu.memref_slice %arg4[%add3A_19, %dma_start3A_39] : memref<108800x128xi32, #tpu.memory_space<hbm>> -> memref<200x128xi32, #tpu.memory_space<hbm>>
      %dma_start3A_41 = arith.constant 0 : i32
      %dma_start3A_42 = tpu.memref_slice %arg4[%add3A_19, %dma_start3A_41] : memref<108800x128xi32, #tpu.memory_space<hbm>> -> memref<200x128xi32, #tpu.memory_space<hbm>>
      tpu.enqueue_dma source(%arg7 : memref<200x128xi32, #tpu.memory_space<vmem>>) target(%dma_start3A_42 : memref<200x128xi32, #tpu.memory_space<hbm>>) target_semaphore(%run_scoped3A : memref<!tpu.dma_semaphore, #tpu.memory_space<semaphore_mem>>)
      %dma_wait3A_43 = arith.constant 0 : i32
      %dma_wait3A_44 = tpu.memref_slice %arg4[%add3A_19, %dma_wait3A_43] : memref<108800x128xi32, #tpu.memory_space<hbm>> -> memref<200x128xi32, #tpu.memory_space<hbm>>
      %dma_wait3A_45 = arith.constant 0 : i32
      %dma_wait3A_46 = tpu.memref_slice %arg4[%add3A_19, %dma_wait3A_45] : memref<108800x128xi32, #tpu.memory_space<hbm>> -> memref<200x128xi32, #tpu.memory_space<hbm>>
      tpu.wait_dma2 semaphore(%run_scoped3A : memref<!tpu.dma_semaphore, #tpu.memory_space<semaphore_mem>>) src(%arg7 : memref<200x128xi32, #tpu.memory_space<vmem>>) dst(%dma_wait3A_46 : memref<200x128xi32, #tpu.memory_space<hbm>>)
      tpu.yield
    }) : () -> ()
    %add3A_22 = arith.constant 0 : i32
    %add3A_23 = arith.addi %add3A_22, %add3A_19 : i32
    %add3A_24 = arith.constant 400 : i32
    %add3A_25 = arith.addi %add3A_23, %add3A_24 : i32
    "tpu.region"() ({
      %run_scoped3A = tpu.sem_alloc : memref<!tpu.dma_semaphore, #tpu.memory_space<semaphore_mem>>
      %dma_start3A_39 = tpu.memref_slice %arg3[%add3A_25] : memref<108800xi32, #tpu.memory_space<hbm>> -> memref<200xi32, #tpu.memory_space<hbm>>
      %dma_start3A_40 = tpu.memref_slice %arg3[%add3A_25] : memref<108800xi32, #tpu.memory_space<hbm>> -> memref<200xi32, #tpu.memory_space<hbm>>
      tpu.enqueue_dma source(%dma_start3A_40 : memref<200xi32, #tpu.memory_space<hbm>>) target(%arg5 : memref<200xi32, #tpu.memory_space<vmem>>) target_semaphore(%run_scoped3A : memref<!tpu.dma_semaphore, #tpu.memory_space<semaphore_mem>>)
      %dma_wait3A_41 = tpu.memref_slice %arg3[%add3A_25] : memref<108800xi32, #tpu.memory_space<hbm>> -> memref<200xi32, #tpu.memory_space<hbm>>
      %dma_wait3A_42 = tpu.memref_slice %arg3[%add3A_25] : memref<108800xi32, #tpu.memory_space<hbm>> -> memref<200xi32, #tpu.memory_space<hbm>>
      tpu.wait_dma2 semaphore(%run_scoped3A : memref<!tpu.dma_semaphore, #tpu.memory_space<semaphore_mem>>) src(%dma_wait3A_42 : memref<200xi32, #tpu.memory_space<hbm>>) dst(%arg5 : memref<200xi32, #tpu.memory_space<vmem>>)
      tpu.yield
    }) : () -> ()
    %dma_start3A_26 = arith.constant 0 : i32
    %dma_start3A_27 = arith.constant 0 : i32
    %dma_start3A_28 = tpu.memref_slice %arg2[%dma_start3A_26, %dma_start3A_27] : memref<10000x128xi32, #tpu.memory_space<hbm>> -> memref<10000x128xi32, #tpu.memory_space<hbm>>
    tpu.enqueue_indirect_dma source(%dma_start3A_28 : memref<10000x128xi32, #tpu.memory_space<hbm>>) target(%arg7 : memref<200x128xi32, #tpu.memory_space<vmem>>) offsets(%arg5 : memref<200xi32, #tpu.memory_space<vmem>>) semaphore(%arg9 : memref<!tpu.dma_semaphore, #tpu.memory_space<semaphore_mem>>)
    %dma_wait3A_29 = arith.constant 0 : i32
    %dma_wait3A_30 = arith.constant 0 : i32
    %dma_wait3A_31 = tpu.memref_slice %arg2[%dma_wait3A_29, %dma_wait3A_30] : memref<10000x128xi32, #tpu.memory_space<hbm>> -> memref<10000x128xi32, #tpu.memory_space<hbm>>
    tpu.wait_indirect_dma semaphore(%arg10 : memref<!tpu.dma_semaphore, #tpu.memory_space<semaphore_mem>>) src(%dma_wait3A_31 : memref<10000x128xi32, #tpu.memory_space<hbm>>) dst(%arg8 : memref<200x128xi32, #tpu.memory_space<vmem>>)
    %add3A_32 = arith.constant 3000 : i32
    %add3A_33 = arith.addi %mul3A_2, %add3A_32 : i32
    "tpu.region"() ({
      %run_scoped3A = tpu.sem_alloc : memref<!tpu.dma_semaphore, #tpu.memory_space<semaphore_mem>>
      %dma_start3A_39 = arith.constant 0 : i32
      %dma_start3A_40 = tpu.memref_slice %arg4[%add3A_33, %dma_start3A_39] : memref<108800x128xi32, #tpu.memory_space<hbm>> -> memref<200x128xi32, #tpu.memory_space<hbm>>
      %dma_start3A_41 = arith.constant 0 : i32
      %dma_start3A_42 = tpu.memref_slice %arg4[%add3A_33, %dma_start3A_41] : memref<108800x128xi32, #tpu.memory_space<hbm>> -> memref<200x128xi32, #tpu.memory_space<hbm>>
      tpu.enqueue_dma source(%arg8 : memref<200x128xi32, #tpu.memory_space<vmem>>) target(%dma_start3A_42 : memref<200x128xi32, #tpu.memory_space<hbm>>) target_semaphore(%run_scoped3A : memref<!tpu.dma_semaphore, #tpu.memory_space<semaphore_mem>>)
      %dma_wait3A_43 = arith.constant 0 : i32
      %dma_wait3A_44 = tpu.memref_slice %arg4[%add3A_33, %dma_wait3A_43] : memref<108800x128xi32, #tpu.memory_space<hbm>> -> memref<200x128xi32, #tpu.memory_space<hbm>>
      %dma_wait3A_45 = arith.constant 0 : i32
      %dma_wait3A_46 = tpu.memref_slice %arg4[%add3A_33, %dma_wait3A_45] : memref<108800x128xi32, #tpu.memory_space<hbm>> -> memref<200x128xi32, #tpu.memory_space<hbm>>
      tpu.wait_dma2 semaphore(%run_scoped3A : memref<!tpu.dma_semaphore, #tpu.memory_space<semaphore_mem>>) src(%arg8 : memref<200x128xi32, #tpu.memory_space<vmem>>) dst(%dma_wait3A_46 : memref<200x128xi32, #tpu.memory_space<hbm>>)
      tpu.yield
    }) : () -> ()
    %dma_wait3A_34 = arith.constant 0 : i32
    %dma_wait3A_35 = arith.constant 0 : i32
    %dma_wait3A_36 = tpu.memref_slice %arg2[%dma_wait3A_34, %dma_wait3A_35] : memref<10000x128xi32, #tpu.memory_space<hbm>> -> memref<10000x128xi32, #tpu.memory_space<hbm>>
    tpu.wait_indirect_dma semaphore(%arg9 : memref<!tpu.dma_semaphore, #tpu.memory_space<semaphore_mem>>) src(%dma_wait3A_36 : memref<10000x128xi32, #tpu.memory_space<hbm>>) dst(%arg7 : memref<200x128xi32, #tpu.memory_space<vmem>>)
    %add3A_37 = arith.constant 3200 : i32
    %add3A_38 = arith.addi %mul3A_2, %add3A_37 : i32
    "tpu.region"() ({
      %run_scoped3A = tpu.sem_alloc : memref<!tpu.dma_semaphore, #tpu.memory_space<semaphore_mem>>
      %dma_start3A_39 = arith.constant 0 : i32
      %dma_start3A_40 = tpu.memref_slice %arg4[%add3A_38, %dma_start3A_39] : memref<108800x128xi32, #tpu.memory_space<hbm>> -> memref<200x128xi32, #tpu.memory_space<hbm>>
      %dma_start3A_41 = arith.constant 0 : i32
      %dma_start3A_42 = tpu.memref_slice %arg4[%add3A_38, %dma_start3A_41] : memref<108800x128xi32, #tpu.memory_space<hbm>> -> memref<200x128xi32, #tpu.memory_space<hbm>>
      tpu.enqueue_dma source(%arg7 : memref<200x128xi32, #tpu.memory_space<vmem>>) target(%dma_start3A_42 : memref<200x128xi32, #tpu.memory_space<hbm>>) target_semaphore(%run_scoped3A : memref<!tpu.dma_semaphore, #tpu.memory_space<semaphore_mem>>)
      %dma_wait3A_43 = arith.constant 0 : i32
      %dma_wait3A_44 = tpu.memref_slice %arg4[%add3A_38, %dma_wait3A_43] : memref<108800x128xi32, #tpu.memory_space<hbm>> -> memref<200x128xi32, #tpu.memory_space<hbm>>
      %dma_wait3A_45 = arith.constant 0 : i32
      %dma_wait3A_46 = tpu.memref_slice %arg4[%add3A_38, %dma_wait3A_45] : memref<108800x128xi32, #tpu.memory_space<hbm>> -> memref<200x128xi32, #tpu.memory_space<hbm>>
      tpu.wait_dma2 semaphore(%run_scoped3A : memref<!tpu.dma_semaphore, #tpu.memory_space<semaphore_mem>>) src(%arg7 : memref<200x128xi32, #tpu.memory_space<vmem>>) dst(%dma_wait3A_46 : memref<200x128xi32, #tpu.memory_space<hbm>>)
      tpu.yield
    }) : () -> ()
    return
  }
}

#map = affine_map<(d0, d1) -> (0, 0)>
#map1 = affine_map<(d0, d1) -> (0)>
module attributes {stable_mosaic.version = 14 : i64} {
  func.func @k(%arg0: i32, %arg1: i32, %arg2: memref<10000x128xi32, #tpu.memory_space<hbm>>, %arg3: memref<108800xi32, #tpu.memory_space<hbm>>, %arg4: memref<108800x128xi32, #tpu.memory_space<hbm>>, %arg5: memref<200xi32, #tpu.memory_space<vmem>>, %arg6: memref<200xi32, #tpu.memory_space<vmem>>, %arg7: memref<200x128xi32, #tpu.memory_space<vmem>>, %arg8: memref<200x128xi32, #tpu.memory_space<vmem>>, %arg9: memref<!tpu.dma_semaphore, #tpu.memory_space<semaphore_mem>>, %arg10: memref<!tpu.dma_semaphore, #tpu.memory_space<semaphore_mem>>, %arg11: memref<!tpu.dma_semaphore, #tpu.memory_space<semaphore_mem>>, %arg12: memref<!tpu.dma_semaphore, #tpu.memory_space<semaphore_mem>>) attributes {dimension_semantics = [#tpu.dimension_semantics<core_parallel>, #tpu.dimension_semantics<subcore_parallel>], iteration_bounds = array<i64: 2, 16>, scalar_prefetch = 0 : i64, scratch_operands = 8 : i64, tpu.core_type = #tpu.core_type<sc_vector_subcore>, window_params = [{transform_indices = #map}, {transform_indices = #map1}, {transform_indices = #map}]} {
    %mul3A = arith.constant 2 : i32
    %mul3A_0 = arith.muli %arg1, %mul3A : i32
    %add3A = arith.addi %mul3A_0, %arg0 : i32
    %mul3A_1 = arith.constant 3400 : i32
    %mul3A_2 = arith.muli %add3A, %mul3A_1 : i32
    %add3A_3 = arith.constant 0 : i32
    %add3A_4 = arith.addi %add3A_3, %mul3A_2 : i32
    "tpu.region"() ({
      %run_scoped3A = tpu.sem_alloc : memref<!tpu.dma_semaphore, #tpu.memory_space<semaphore_mem>>
      %dma_start3A_39 = tpu.memref_slice %arg3[%add3A_4] : memref<108800xi32, #tpu.memory_space<hbm>> -> memref<200xi32, #tpu.memory_space<hbm>>
      %dma_start3A_40 = tpu.memref_slice %arg3[%add3A_4] : memref<108800xi32, #tpu.memory_space<hbm>> -> memref<200xi32, #tpu.memory_space<hbm>>
      tpu.enqueue_dma source(%dma_start3A_40 : memref<200xi32, #tpu.memory_space<hbm>>) target(%arg5 : memref<200xi32, #tpu.memory_space<vmem>>) target_semaphore(%run_scoped3A : memref<!tpu.dma_semaphore, #tpu.memory_space<semaphore_mem>>)
      %dma_wait3A_41 = tpu.memref_slice %arg3[%add3A_4] : memref<108800xi32, #tpu.memory_space<hbm>> -> memref<200xi32, #tpu.memory_space<hbm>>
      %dma_wait3A_42 = tpu.memref_slice %arg3[%add3A_4] : memref<108800xi32, #tpu.memory_space<hbm>> -> memref<200xi32, #tpu.memory_space<hbm>>
      tpu.wait_dma2 semaphore(%run_scoped3A : memref<!tpu.dma_semaphore, #tpu.memory_space<semaphore_mem>>) src(%dma_wait3A_42 : memref<200xi32, #tpu.memory_space<hbm>>) dst(%arg5 : memref<200xi32, #tpu.memory_space<vmem>>)
      tpu.yield
    }) : () -> ()
    %dma_start3A = arith.constant 0 : i32
    %dma_start3A_5 = arith.constant 0 : i32
    %dma_start3A_6 = tpu.memref_slice %arg2[%dma_start3A, %dma_start3A_5] : memref<10000x128xi32, #tpu.memory_space<hbm>> -> memref<10000x128xi32, #tpu.memory_space<hbm>>
    tpu.enqueue_indirect_dma source(%dma_start3A_6 : memref<10000x128xi32, #tpu.memory_space<hbm>>) target(%arg7 : memref<200x128xi32, #tpu.memory_space<vmem>>) offsets(%arg5 : memref<200xi32, #tpu.memory_space<vmem>>) semaphore(%arg9 : memref<!tpu.dma_semaphore, #tpu.memory_space<semaphore_mem>>)
    %add3A_7 = arith.constant 0 : i32
    %add3A_8 = arith.addi %add3A_7, %mul3A_2 : i32
    %add3A_9 = arith.constant 200 : i32
    %add3A_10 = arith.addi %add3A_8, %add3A_9 : i32
    "tpu.region"() ({
      %run_scoped3A = tpu.sem_alloc : memref<!tpu.dma_semaphore, #tpu.memory_space<semaphore_mem>>
      %dma_start3A_39 = tpu.memref_slice %arg3[%add3A_10] : memref<108800xi32, #tpu.memory_space<hbm>> -> memref<200xi32, #tpu.memory_space<hbm>>
      %dma_start3A_40 = tpu.memref_slice %arg3[%add3A_10] : memref<108800xi32, #tpu.memory_space<hbm>> -> memref<200xi32, #tpu.memory_space<hbm>>
      tpu.enqueue_dma source(%dma_start3A_40 : memref<200xi32, #tpu.memory_space<hbm>>) target(%arg6 : memref<200xi32, #tpu.memory_space<vmem>>) target_semaphore(%run_scoped3A : memref<!tpu.dma_semaphore, #tpu.memory_space<semaphore_mem>>)
      %dma_wait3A_41 = tpu.memref_slice %arg3[%add3A_10] : memref<108800xi32, #tpu.memory_space<hbm>> -> memref<200xi32, #tpu.memory_space<hbm>>
      %dma_wait3A_42 = tpu.memref_slice %arg3[%add3A_10] : memref<108800xi32, #tpu.memory_space<hbm>> -> memref<200xi32, #tpu.memory_space<hbm>>
      tpu.wait_dma2 semaphore(%run_scoped3A : memref<!tpu.dma_semaphore, #tpu.memory_space<semaphore_mem>>) src(%dma_wait3A_42 : memref<200xi32, #tpu.memory_space<hbm>>) dst(%arg6 : memref<200xi32, #tpu.memory_space<vmem>>)
      tpu.yield
    }) : () -> ()
    %dma_start3A_11 = arith.constant 0 : i32
    %dma_start3A_12 = arith.constant 0 : i32
    %dma_start3A_13 = tpu.memref_slice %arg2[%dma_start3A_11, %dma_start3A_12] : memref<10000x128xi32, #tpu.memory_space<hbm>> -> memref<10000x128xi32, #tpu.memory_space<hbm>>
    tpu.enqueue_indirect_dma source(%dma_start3A_13 : memref<10000x128xi32, #tpu.memory_space<hbm>>) target(%arg8 : memref<200x128xi32, #tpu.memory_space<vmem>>) offsets(%arg6 : memref<200xi32, #tpu.memory_space<vmem>>) semaphore(%arg10 : memref<!tpu.dma_semaphore, #tpu.memory_space<semaphore_mem>>)
    %scan3A = arith.constant 0 : i32
    %scan3A_14 = arith.constant 7 : i32
    %scan3A_15 = arith.addi %scan3A, %scan3A_14 : i32
    %scan3A_16 = arith.constant 1 : i32
    scf.for %scan3A_39 = %scan3A to %scan3A_15 step %scan3A_16  : i32 {
      %mul3A_40 = arith.constant 1 : i32
      %mul3A_41 = arith.muli %scan3A_39, %mul3A_40 : i32
      %add3A_42 = arith.constant 0 : i32
      %add3A_43 = arith.addi %add3A_42, %mul3A_41 : i32
      %mul3A_44 = arith.constant 2 : i32
      %mul3A_45 = arith.muli %mul3A_44, %add3A_43 : i32
      %mul3A_46 = arith.constant 200 : i32
      %mul3A_47 = arith.muli %mul3A_45, %mul3A_46 : i32
      %add3A_48 = arith.addi %mul3A_2, %mul3A_47 : i32
      %dma_wait3A_49 = arith.constant 0 : i32
      %dma_wait3A_50 = arith.constant 0 : i32
      %dma_wait3A_51 = tpu.memref_slice %arg2[%dma_wait3A_49, %dma_wait3A_50] : memref<10000x128xi32, #tpu.memory_space<hbm>> -> memref<10000x128xi32, #tpu.memory_space<hbm>>
      tpu.wait_indirect_dma semaphore(%arg9 : memref<!tpu.dma_semaphore, #tpu.memory_space<semaphore_mem>>) src(%dma_wait3A_51 : memref<10000x128xi32, #tpu.memory_space<hbm>>) dst(%arg7 : memref<200x128xi32, #tpu.memory_space<vmem>>)
      %dma_start3A_52 = arith.constant 0 : i32
      %dma_start3A_53 = tpu.memref_slice %arg4[%add3A_48, %dma_start3A_52] : memref<108800x128xi32, #tpu.memory_space<hbm>> -> memref<200x128xi32, #tpu.memory_space<hbm>>
      %dma_start3A_54 = arith.constant 0 : i32
      %dma_start3A_55 = tpu.memref_slice %arg4[%add3A_48, %dma_start3A_54] : memref<108800x128xi32, #tpu.memory_space<hbm>> -> memref<200x128xi32, #tpu.memory_space<hbm>>
      tpu.enqueue_dma source(%arg7 : memref<200x128xi32, #tpu.memory_space<vmem>>) target(%dma_start3A_55 : memref<200x128xi32, #tpu.memory_space<hbm>>) target_semaphore(%arg11 : memref<!tpu.dma_semaphore, #tpu.memory_space<semaphore_mem>>)
      %add3A_56 = arith.constant 0 : i32
      %add3A_57 = arith.addi %add3A_56, %add3A_48 : i32
      %add3A_58 = arith.constant 400 : i32
      %add3A_59 = arith.addi %add3A_57, %add3A_58 : i32
      "tpu.region"() ({
        %run_scoped3A = tpu.sem_alloc : memref<!tpu.dma_semaphore, #tpu.memory_space<semaphore_mem>>
        %dma_start3A_87 = tpu.memref_slice %arg3[%add3A_59] : memref<108800xi32, #tpu.memory_space<hbm>> -> memref<200xi32, #tpu.memory_space<hbm>>
        %dma_start3A_88 = tpu.memref_slice %arg3[%add3A_59] : memref<108800xi32, #tpu.memory_space<hbm>> -> memref<200xi32, #tpu.memory_space<hbm>>
        tpu.enqueue_dma source(%dma_start3A_88 : memref<200xi32, #tpu.memory_space<hbm>>) target(%arg5 : memref<200xi32, #tpu.memory_space<vmem>>) target_semaphore(%run_scoped3A : memref<!tpu.dma_semaphore, #tpu.memory_space<semaphore_mem>>)
        %dma_wait3A_89 = tpu.memref_slice %arg3[%add3A_59] : memref<108800xi32, #tpu.memory_space<hbm>> -> memref<200xi32, #tpu.memory_space<hbm>>
        %dma_wait3A_90 = tpu.memref_slice %arg3[%add3A_59] : memref<108800xi32, #tpu.memory_space<hbm>> -> memref<200xi32, #tpu.memory_space<hbm>>
        tpu.wait_dma2 semaphore(%run_scoped3A : memref<!tpu.dma_semaphore, #tpu.memory_space<semaphore_mem>>) src(%dma_wait3A_90 : memref<200xi32, #tpu.memory_space<hbm>>) dst(%arg5 : memref<200xi32, #tpu.memory_space<vmem>>)
        tpu.yield
      }) : () -> ()
      %dma_wait3A_60 = arith.constant 0 : i32
      %dma_wait3A_61 = tpu.memref_slice %arg4[%add3A_48, %dma_wait3A_60] : memref<108800x128xi32, #tpu.memory_space<hbm>> -> memref<200x128xi32, #tpu.memory_space<hbm>>
      %dma_wait3A_62 = arith.constant 0 : i32
      %dma_wait3A_63 = tpu.memref_slice %arg4[%add3A_48, %dma_wait3A_62] : memref<108800x128xi32, #tpu.memory_space<hbm>> -> memref<200x128xi32, #tpu.memory_space<hbm>>
      tpu.wait_dma2 semaphore(%arg11 : memref<!tpu.dma_semaphore, #tpu.memory_space<semaphore_mem>>) src(%arg7 : memref<200x128xi32, #tpu.memory_space<vmem>>) dst(%dma_wait3A_63 : memref<200x128xi32, #tpu.memory_space<hbm>>)
      %dma_start3A_64 = arith.constant 0 : i32
      %dma_start3A_65 = arith.constant 0 : i32
      %dma_start3A_66 = tpu.memref_slice %arg2[%dma_start3A_64, %dma_start3A_65] : memref<10000x128xi32, #tpu.memory_space<hbm>> -> memref<10000x128xi32, #tpu.memory_space<hbm>>
      tpu.enqueue_indirect_dma source(%dma_start3A_66 : memref<10000x128xi32, #tpu.memory_space<hbm>>) target(%arg7 : memref<200x128xi32, #tpu.memory_space<vmem>>) offsets(%arg5 : memref<200xi32, #tpu.memory_space<vmem>>) semaphore(%arg9 : memref<!tpu.dma_semaphore, #tpu.memory_space<semaphore_mem>>)
      %add3A_67 = arith.constant 200 : i32
      %add3A_68 = arith.addi %add3A_48, %add3A_67 : i32
      %dma_wait3A_69 = arith.constant 0 : i32
      %dma_wait3A_70 = arith.constant 0 : i32
      %dma_wait3A_71 = tpu.memref_slice %arg2[%dma_wait3A_69, %dma_wait3A_70] : memref<10000x128xi32, #tpu.memory_space<hbm>> -> memref<10000x128xi32, #tpu.memory_space<hbm>>
      tpu.wait_indirect_dma semaphore(%arg10 : memref<!tpu.dma_semaphore, #tpu.memory_space<semaphore_mem>>) src(%dma_wait3A_71 : memref<10000x128xi32, #tpu.memory_space<hbm>>) dst(%arg8 : memref<200x128xi32, #tpu.memory_space<vmem>>)
      %dma_start3A_72 = arith.constant 0 : i32
      %dma_start3A_73 = tpu.memref_slice %arg4[%add3A_68, %dma_start3A_72] : memref<108800x128xi32, #tpu.memory_space<hbm>> -> memref<200x128xi32, #tpu.memory_space<hbm>>
      %dma_start3A_74 = arith.constant 0 : i32
      %dma_start3A_75 = tpu.memref_slice %arg4[%add3A_68, %dma_start3A_74] : memref<108800x128xi32, #tpu.memory_space<hbm>> -> memref<200x128xi32, #tpu.memory_space<hbm>>
      tpu.enqueue_dma source(%arg8 : memref<200x128xi32, #tpu.memory_space<vmem>>) target(%dma_start3A_75 : memref<200x128xi32, #tpu.memory_space<hbm>>) target_semaphore(%arg12 : memref<!tpu.dma_semaphore, #tpu.memory_space<semaphore_mem>>)
      %add3A_76 = arith.constant 0 : i32
      %add3A_77 = arith.addi %add3A_76, %add3A_68 : i32
      %add3A_78 = arith.constant 400 : i32
      %add3A_79 = arith.addi %add3A_77, %add3A_78 : i32
      "tpu.region"() ({
        %run_scoped3A = tpu.sem_alloc : memref<!tpu.dma_semaphore, #tpu.memory_space<semaphore_mem>>
        %dma_start3A_87 = tpu.memref_slice %arg3[%add3A_79] : memref<108800xi32, #tpu.memory_space<hbm>> -> memref<200xi32, #tpu.memory_space<hbm>>
        %dma_start3A_88 = tpu.memref_slice %arg3[%add3A_79] : memref<108800xi32, #tpu.memory_space<hbm>> -> memref<200xi32, #tpu.memory_space<hbm>>
        tpu.enqueue_dma source(%dma_start3A_88 : memref<200xi32, #tpu.memory_space<hbm>>) target(%arg6 : memref<200xi32, #tpu.memory_space<vmem>>) target_semaphore(%run_scoped3A : memref<!tpu.dma_semaphore, #tpu.memory_space<semaphore_mem>>)
        %dma_wait3A_89 = tpu.memref_slice %arg3[%add3A_79] : memref<108800xi32, #tpu.memory_space<hbm>> -> memref<200xi32, #tpu.memory_space<hbm>>
        %dma_wait3A_90 = tpu.memref_slice %arg3[%add3A_79] : memref<108800xi32, #tpu.memory_space<hbm>> -> memref<200xi32, #tpu.memory_space<hbm>>
        tpu.wait_dma2 semaphore(%run_scoped3A : memref<!tpu.dma_semaphore, #tpu.memory_space<semaphore_mem>>) src(%dma_wait3A_90 : memref<200xi32, #tpu.memory_space<hbm>>) dst(%arg6 : memref<200xi32, #tpu.memory_space<vmem>>)
        tpu.yield
      }) : () -> ()
      %dma_wait3A_80 = arith.constant 0 : i32
      %dma_wait3A_81 = tpu.memref_slice %arg4[%add3A_68, %dma_wait3A_80] : memref<108800x128xi32, #tpu.memory_space<hbm>> -> memref<200x128xi32, #tpu.memory_space<hbm>>
      %dma_wait3A_82 = arith.constant 0 : i32
      %dma_wait3A_83 = tpu.memref_slice %arg4[%add3A_68, %dma_wait3A_82] : memref<108800x128xi32, #tpu.memory_space<hbm>> -> memref<200x128xi32, #tpu.memory_space<hbm>>
      tpu.wait_dma2 semaphore(%arg12 : memref<!tpu.dma_semaphore, #tpu.memory_space<semaphore_mem>>) src(%arg8 : memref<200x128xi32, #tpu.memory_space<vmem>>) dst(%dma_wait3A_83 : memref<200x128xi32, #tpu.memory_space<hbm>>)
      %dma_start3A_84 = arith.constant 0 : i32
      %dma_start3A_85 = arith.constant 0 : i32
      %dma_start3A_86 = tpu.memref_slice %arg2[%dma_start3A_84, %dma_start3A_85] : memref<10000x128xi32, #tpu.memory_space<hbm>> -> memref<10000x128xi32, #tpu.memory_space<hbm>>
      tpu.enqueue_indirect_dma source(%dma_start3A_86 : memref<10000x128xi32, #tpu.memory_space<hbm>>) target(%arg8 : memref<200x128xi32, #tpu.memory_space<vmem>>) offsets(%arg6 : memref<200xi32, #tpu.memory_space<vmem>>) semaphore(%arg10 : memref<!tpu.dma_semaphore, #tpu.memory_space<semaphore_mem>>)
    }
    %scan3A_17 = arith.constant 7 : i32
    %add3A_18 = arith.constant 2800 : i32
    %add3A_19 = arith.addi %mul3A_2, %add3A_18 : i32
    %dma_wait3A = arith.constant 0 : i32
    %dma_wait3A_20 = arith.constant 0 : i32
    %dma_wait3A_21 = tpu.memref_slice %arg2[%dma_wait3A, %dma_wait3A_20] : memref<10000x128xi32, #tpu.memory_space<hbm>> -> memref<10000x128xi32, #tpu.memory_space<hbm>>
    tpu.wait_indirect_dma semaphore(%arg9 : memref<!tpu.dma_semaphore, #tpu.memory_space<semaphore_mem>>) src(%dma_wait3A_21 : memref<10000x128xi32, #tpu.memory_space<hbm>>) dst(%arg7 : memref<200x128xi32, #tpu.memory_space<vmem>>)
    "tpu.region"() ({
      %run_scoped3A = tpu.sem_alloc : memref<!tpu.dma_semaphore, #tpu.memory_space<semaphore_mem>>
      %dma_start3A_39 = arith.constant 0 : i32
      %dma_start3A_40 = tpu.memref_slice %arg4[%add3A_19, %dma_start3A_39] : memref<108800x128xi32, #tpu.memory_space<hbm>> -> memref<200x128xi32, #tpu.memory_space<hbm>>
      %dma_start3A_41 = arith.constant 0 : i32
      %dma_start3A_42 = tpu.memref_slice %arg4[%add3A_19, %dma_start3A_41] : memref<108800x128xi32, #tpu.memory_space<hbm>> -> memref<200x128xi32, #tpu.memory_space<hbm>>
      tpu.enqueue_dma source(%arg7 : memref<200x128xi32, #tpu.memory_space<vmem>>) target(%dma_start3A_42 : memref<200x128xi32, #tpu.memory_space<hbm>>) target_semaphore(%run_scoped3A : memref<!tpu.dma_semaphore, #tpu.memory_space<semaphore_mem>>)
      %dma_wait3A_43 = arith.constant 0 : i32
      %dma_wait3A_44 = tpu.memref_slice %arg4[%add3A_19, %dma_wait3A_43] : memref<108800x128xi32, #tpu.memory_space<hbm>> -> memref<200x128xi32, #tpu.memory_space<hbm>>
      %dma_wait3A_45 = arith.constant 0 : i32
      %dma_wait3A_46 = tpu.memref_slice %arg4[%add3A_19, %dma_wait3A_45] : memref<108800x128xi32, #tpu.memory_space<hbm>> -> memref<200x128xi32, #tpu.memory_space<hbm>>
      tpu.wait_dma2 semaphore(%run_scoped3A : memref<!tpu.dma_semaphore, #tpu.memory_space<semaphore_mem>>) src(%arg7 : memref<200x128xi32, #tpu.memory_space<vmem>>) dst(%dma_wait3A_46 : memref<200x128xi32, #tpu.memory_space<hbm>>)
      tpu.yield
    }) : () -> ()
    %add3A_22 = arith.constant 0 : i32
    %add3A_23 = arith.addi %add3A_22, %add3A_19 : i32
    %add3A_24 = arith.constant 400 : i32
    %add3A_25 = arith.addi %add3A_23, %add3A_24 : i32
    "tpu.region"() ({
      %run_scoped3A = tpu.sem_alloc : memref<!tpu.dma_semaphore, #tpu.memory_space<semaphore_mem>>
      %dma_start3A_39 = tpu.memref_slice %arg3[%add3A_25] : memref<108800xi32, #tpu.memory_space<hbm>> -> memref<200xi32, #tpu.memory_space<hbm>>
      %dma_start3A_40 = tpu.memref_slice %arg3[%add3A_25] : memref<108800xi32, #tpu.memory_space<hbm>> -> memref<200xi32, #tpu.memory_space<hbm>>
      tpu.enqueue_dma source(%dma_start3A_40 : memref<200xi32, #tpu.memory_space<hbm>>) target(%arg5 : memref<200xi32, #tpu.memory_space<vmem>>) target_semaphore(%run_scoped3A : memref<!tpu.dma_semaphore, #tpu.memory_space<semaphore_mem>>)
      %dma_wait3A_41 = tpu.memref_slice %arg3[%add3A_25] : memref<108800xi32, #tpu.memory_space<hbm>> -> memref<200xi32, #tpu.memory_space<hbm>>
      %dma_wait3A_42 = tpu.memref_slice %arg3[%add3A_25] : memref<108800xi32, #tpu.memory_space<hbm>> -> memref<200xi32, #tpu.memory_space<hbm>>
      tpu.wait_dma2 semaphore(%run_scoped3A : memref<!tpu.dma_semaphore, #tpu.memory_space<semaphore_mem>>) src(%dma_wait3A_42 : memref<200xi32, #tpu.memory_space<hbm>>) dst(%arg5 : memref<200xi32, #tpu.memory_space<vmem>>)
      tpu.yield
    }) : () -> ()
    %dma_start3A_26 = arith.constant 0 : i32
    %dma_start3A_27 = arith.constant 0 : i32
    %dma_start3A_28 = tpu.memref_slice %arg2[%dma_start3A_26, %dma_start3A_27] : memref<10000x128xi32, #tpu.memory_space<hbm>> -> memref<10000x128xi32, #tpu.memory_space<hbm>>
    tpu.enqueue_indirect_dma source(%dma_start3A_28 : memref<10000x128xi32, #tpu.memory_space<hbm>>) target(%arg7 : memref<200x128xi32, #tpu.memory_space<vmem>>) offsets(%arg5 : memref<200xi32, #tpu.memory_space<vmem>>) semaphore(%arg9 : memref<!tpu.dma_semaphore, #tpu.memory_space<semaphore_mem>>)
    %dma_wait3A_29 = arith.constant 0 : i32
    %dma_wait3A_30 = arith.constant 0 : i32
    %dma_wait3A_31 = tpu.memref_slice %arg2[%dma_wait3A_29, %dma_wait3A_30] : memref<10000x128xi32, #tpu.memory_space<hbm>> -> memref<10000x128xi32, #tpu.memory_space<hbm>>
    tpu.wait_indirect_dma semaphore(%arg10 : memref<!tpu.dma_semaphore, #tpu.memory_space<semaphore_mem>>) src(%dma_wait3A_31 : memref<10000x128xi32, #tpu.memory_space<hbm>>) dst(%arg8 : memref<200x128xi32, #tpu.memory_space<vmem>>)
    %add3A_32 = arith.constant 3000 : i32
    %add3A_33 = arith.addi %mul3A_2, %add3A_32 : i32
    "tpu.region"() ({
      %run_scoped3A = tpu.sem_alloc : memref<!tpu.dma_semaphore, #tpu.memory_space<semaphore_mem>>
      %dma_start3A_39 = arith.constant 0 : i32
      %dma_start3A_40 = tpu.memref_slice %arg4[%add3A_33, %dma_start3A_39] : memref<108800x128xi32, #tpu.memory_space<hbm>> -> memref<200x128xi32, #tpu.memory_space<hbm>>
      %dma_start3A_41 = arith.constant 0 : i32
      %dma_start3A_42 = tpu.memref_slice %arg4[%add3A_33, %dma_start3A_41] : memref<108800x128xi32, #tpu.memory_space<hbm>> -> memref<200x128xi32, #tpu.memory_space<hbm>>
      tpu.enqueue_dma source(%arg8 : memref<200x128xi32, #tpu.memory_space<vmem>>) target(%dma_start3A_42 : memref<200x128xi32, #tpu.memory_space<hbm>>) target_semaphore(%run_scoped3A : memref<!tpu.dma_semaphore, #tpu.memory_space<semaphore_mem>>)
      %dma_wait3A_43 = arith.constant 0 : i32
      %dma_wait3A_44 = tpu.memref_slice %arg4[%add3A_33, %dma_wait3A_43] : memref<108800x128xi32, #tpu.memory_space<hbm>> -> memref<200x128xi32, #tpu.memory_space<hbm>>
      %dma_wait3A_45 = arith.constant 0 : i32
      %dma_wait3A_46 = tpu.memref_slice %arg4[%add3A_33, %dma_wait3A_45] : memref<108800x128xi32, #tpu.memory_space<hbm>> -> memref<200x128xi32, #tpu.memory_space<hbm>>
      tpu.wait_dma2 semaphore(%run_scoped3A : memref<!tpu.dma_semaphore, #tpu.memory_space<semaphore_mem>>) src(%arg8 : memref<200x128xi32, #tpu.memory_space<vmem>>) dst(%dma_wait3A_46 : memref<200x128xi32, #tpu.memory_space<hbm>>)
      tpu.yield
    }) : () -> ()
    %dma_wait3A_34 = arith.constant 0 : i32
    %dma_wait3A_35 = arith.constant 0 : i32
    %dma_wait3A_36 = tpu.memref_slice %arg2[%dma_wait3A_34, %dma_wait3A_35] : memref<10000x128xi32, #tpu.memory_space<hbm>> -> memref<10000x128xi32, #tpu.memory_space<hbm>>
    tpu.wait_indirect_dma semaphore(%arg9 : memref<!tpu.dma_semaphore, #tpu.memory_space<semaphore_mem>>) src(%dma_wait3A_36 : memref<10000x128xi32, #tpu.memory_space<hbm>>) dst(%arg7 : memref<200x128xi32, #tpu.memory_space<vmem>>)
    %add3A_37 = arith.constant 3200 : i32
    %add3A_38 = arith.addi %mul3A_2, %add3A_37 : i32
    "tpu.region"() ({
      %run_scoped3A = tpu.sem_alloc : memref<!tpu.dma_semaphore, #tpu.memory_space<semaphore_mem>>
      %dma_start3A_39 = arith.constant 0 : i32
      %dma_start3A_40 = tpu.memref_slice %arg4[%add3A_38, %dma_start3A_39] : memref<108800x128xi32, #tpu.memory_space<hbm>> -> memref<200x128xi32, #tpu.memory_space<hbm>>
      %dma_start3A_41 = arith.constant 0 : i32
      %dma_start3A_42 = tpu.memref_slice %arg4[%add3A_38, %dma_start3A_41] : memref<108800x128xi32, #tpu.memory_space<hbm>> -> memref<200x128xi32, #tpu.memory_space<hbm>>
      tpu.enqueue_dma source(%arg7 : memref<200x128xi32, #tpu.memory_space<vmem>>) target(%dma_start3A_42 : memref<200x128xi32, #tpu.memory_space<hbm>>) target_semaphore(%run_scoped3A : memref<!tpu.dma_semaphore, #tpu.memory_space<semaphore_mem>>)
      %dma_wait3A_43 = arith.constant 0 : i32
      %dma_wait3A_44 = tpu.memref_slice %arg4[%add3A_38, %dma_wait3A_43] : memref<108800x128xi32, #tpu.memory_space<hbm>> -> memref<200x128xi32, #tpu.memory_space<hbm>>
      %dma_wait3A_45 = arith.constant 0 : i32
      %dma_wait3A_46 = tpu.memref_slice %arg4[%add3A_38, %dma_wait3A_45] : memref<108800x128xi32, #tpu.memory_space<hbm>> -> memref<200x128xi32, #tpu.memory_space<hbm>>
      tpu.wait_dma2 semaphore(%run_scoped3A : memref<!tpu.dma_semaphore, #tpu.memory_space<semaphore_mem>>) src(%arg7 : memref<200x128xi32, #tpu.memory_space<vmem>>) dst(%dma_wait3A_46 : memref<200x128xi32, #tpu.memory_space<hbm>>)
      tpu.yield
    }) : () -> ()
    return
  }
}

module attributes {stable_mosaic.version = 14 : i64} {
  func.func @_k1_body(%arg0: i32, %arg1: memref<1000x128xf32, #tpu.memory_space<vmem>>, %arg2: memref<128x128xf32, #tpu.memory_space<vmem>>, %arg3: memref<128x128xf32, #tpu.memory_space<vmem>>, %arg4: memref<1000x128xi32, #tpu.memory_space<vmem>>) attributes {dimension_semantics = [#tpu.dimension_semantics<arbitrary>], iteration_bounds = array<i64: 10>, scalar_prefetch = 0 : i64, scratch_operands = 0 : i64, tpu.core_type = #tpu.core_type<tc>, window_params = [{transform_indices = @transform_0, window_bounds = array<i64: 1000, 128>}, {pipeline_mode = #tpu.pipeline_mode<synchronous>, transform_indices = @transform_1, window_bounds = array<i64: 128, 128>}, {pipeline_mode = #tpu.pipeline_mode<synchronous>, transform_indices = @transform_2, window_bounds = array<i64: 128, 128>}, {transform_indices = @transform_3, window_bounds = array<i64: 1000, 128>}]} {
    %get3A = arith.constant 0 : index
    %get3A_0 = arith.constant 0 : index
    %get3A_1 = vector.load %arg1[%get3A, %get3A_0] : memref<1000x128xf32, #tpu.memory_space<vmem>>, vector<1000x128xf32>
    %get3A_2 = arith.constant 0 : index
    %get3A_3 = arith.constant 0 : index
    %get3A_4 = vector.load %arg2[%get3A_2, %get3A_3] : memref<128x128xf32, #tpu.memory_space<vmem>>, vector<128x128xf32>
    %dot_general3A = arith.constant dense<0.000000e+00> : vector<1000x128xf32>
    %dot_general3A_5 = tpu.matmul %get3A_1, %get3A_4, %dot_general3A {dimension_numbers = #tpu.dot_dimension_numbers<[1], [0], [0], [1], [0, 0, 1, 1], [], []>, transpose_lhs_hint = false} : vector<1000x128xf32>, vector<128x128xf32>, vector<1000x128xf32> -> vector<1000x128xf32>
    %get3A_6 = arith.constant 0 : index
    %get3A_7 = arith.constant 0 : index
    %get3A_8 = vector.load %arg3[%get3A_6, %get3A_7] : memref<128x128xf32, #tpu.memory_space<vmem>>, vector<128x128xf32>
    %dot_general3A_9 = arith.constant dense<0.000000e+00> : vector<1000x128xf32>
    %dot_general3A_10 = tpu.matmul %get3A_1, %get3A_8, %dot_general3A_9 {dimension_numbers = #tpu.dot_dimension_numbers<[1], [0], [0], [1], [0, 0, 1, 1], [], []>, transpose_lhs_hint = false} : vector<1000x128xf32>, vector<128x128xf32>, vector<1000x128xf32> -> vector<1000x128xf32>
    %bitcast_convert_type3A = tpu.bitcast %dot_general3A_5 : vector<1000x128xf32> -> vector<1000x128xi32>
    %bitcast_convert_type3A_11 = tpu.bitcast %dot_general3A_10 : vector<1000x128xf32> -> vector<1000x128xi32>
    %add3A = arith.constant 32768 : i32
    %add3A_12 = vector.broadcast %add3A : i32 to vector<1000x128xi32>
    %add3A_13 = arith.addi %bitcast_convert_type3A, %add3A_12 : vector<1000x128xi32>
    %shift_right_arithmetic3A = arith.constant 16 : i32
    %shift_right_arithmetic3A_14 = vector.broadcast %shift_right_arithmetic3A : i32 to vector<1000x128xi32>
    %shift_right_arithmetic3A_15 = arith.shrsi %add3A_13, %shift_right_arithmetic3A_14 : vector<1000x128xi32>
    %and3A = arith.constant 65535 : i32
    %and3A_16 = vector.broadcast %and3A : i32 to vector<1000x128xi32>
    %and3A_17 = arith.andi %shift_right_arithmetic3A_15, %and3A_16 : vector<1000x128xi32>
    %add3A_18 = arith.constant 32768 : i32
    %add3A_19 = vector.broadcast %add3A_18 : i32 to vector<1000x128xi32>
    %add3A_20 = arith.addi %bitcast_convert_type3A_11, %add3A_19 : vector<1000x128xi32>
    %and3A_21 = arith.constant -65536 : i32
    %and3A_22 = vector.broadcast %and3A_21 : i32 to vector<1000x128xi32>
    %and3A_23 = arith.andi %add3A_20, %and3A_22 : vector<1000x128xi32>
    %or3A = arith.ori %and3A_17, %and3A_23 : vector<1000x128xi32>
    %swap3A = arith.constant 0 : index
    %swap3A_24 = arith.constant 0 : index
    %swap3A_25 = vector.load %arg4[%swap3A, %swap3A_24] : memref<1000x128xi32, #tpu.memory_space<vmem>>, vector<1000x128xi32>
    tpu.vector_store %arg4[%swap3A, %swap3A_24], %or3A {strides = array<i32>} : memref<1000x128xi32, #tpu.memory_space<vmem>>, vector<1000x128xi32>,
    return
  }
  func.func @transform_0(%arg0: i32) -> (i32, i32) {
    %c0_i32 = arith.constant 0 : i32
    %c0_i32_0 = arith.constant 0 : i32
    return %arg0, %c0_i32 : i32, i32
  }
  func.func @transform_1(%arg0: i32) -> (i32, i32) {
    %c0_i32 = arith.constant 0 : i32
    %c0_i32_0 = arith.constant 0 : i32
    %c0_i32_1 = arith.constant 0 : i32
    return %c0_i32, %c0_i32_0 : i32, i32
  }
  func.func @transform_2(%arg0: i32) -> (i32, i32) {
    %c0_i32 = arith.constant 0 : i32
    %c0_i32_0 = arith.constant 0 : i32
    %c0_i32_1 = arith.constant 0 : i32
    return %c0_i32, %c0_i32_0 : i32, i32
  }
  func.func @transform_3(%arg0: i32) -> (i32, i32) {
    %c0_i32 = arith.constant 0 : i32
    %c0_i32_0 = arith.constant 0 : i32
    return %arg0, %c0_i32 : i32, i32
  }
}

module attributes {stable_mosaic.version = 14 : i64} {
  func.func @_k2_body(%arg0: i32, %arg1: memref<200x128xf32, #tpu.memory_space<vmem>>, %arg2: memref<6400x128xi32, #tpu.memory_space<vmem>>, %arg3: memref<6400x16xf32, #tpu.memory_space<vmem>>, %arg4: memref<128x128xbf16, #tpu.memory_space<vmem>>, %arg5: memref<16x128xbf16, #tpu.memory_space<vmem>>, %arg6: memref<16x128xbf16, #tpu.memory_space<vmem>>, %arg7: memref<1x128xf32, #tpu.memory_space<vmem>>, %arg8: memref<1x128xf32, #tpu.memory_space<vmem>>, %arg9: memref<1x128xf32, #tpu.memory_space<vmem>>, %arg10: memref<200x128xf32, #tpu.memory_space<vmem>>) attributes {dimension_semantics = [#tpu.dimension_semantics<parallel>], iteration_bounds = array<i64: 16>, scalar_prefetch = 0 : i64, scratch_operands = 0 : i64, tpu.core_type = #tpu.core_type<tc>, window_params = [{transform_indices = @transform_0, window_bounds = array<i64: 200, 128>}, {transform_indices = @transform_1, window_bounds = array<i64: 6400, 128>}, {transform_indices = @transform_2, window_bounds = array<i64: 6400, 16>}, {pipeline_mode = #tpu.pipeline_mode<synchronous>, transform_indices = @transform_3, window_bounds = array<i64: 128, 128>}, {pipeline_mode = #tpu.pipeline_mode<synchronous>, transform_indices = @transform_4, window_bounds = array<i64: 16, 128>}, {pipeline_mode = #tpu.pipeline_mode<synchronous>, transform_indices = @transform_5, window_bounds = array<i64: 16, 128>}, {pipeline_mode = #tpu.pipeline_mode<synchronous>, transform_indices = @transform_6, window_bounds = array<i64: 1, 128>}, {pipeline_mode = #tpu.pipeline_mode<synchronous>, transform_indices = @transform_7, window_bounds = array<i64: 1, 128>}, {pipeline_mode = #tpu.pipeline_mode<synchronous>, transform_indices = @transform_8, window_bounds = array<i64: 1, 128>}, {transform_indices = @transform_9, window_bounds = array<i64: 200, 128>}]} {
    %get3A = arith.constant 0 : index
    %get3A_0 = arith.constant 0 : index
    %get3A_1 = vector.load %arg1[%get3A, %get3A_0] : memref<200x128xf32, #tpu.memory_space<vmem>>, vector<200x128xf32>
    %get3A_2 = arith.constant 0 : index
    %get3A_3 = arith.constant 0 : index
    %get3A_4 = vector.load %arg3[%get3A_2, %get3A_3] : memref<6400x16xf32, #tpu.memory_space<vmem>>, vector<6400x16xf32>
    %get3A_5 = arith.constant 0 : index
    %get3A_6 = arith.constant 0 : index
    %get3A_7 = vector.load %arg2[%get3A_5, %get3A_6] : memref<6400x128xi32, #tpu.memory_space<vmem>>, vector<6400x128xi32>
    %convert_element_type3A = arith.truncf %get3A_4 : vector<6400x16xf32> to vector<6400x16xbf16>
    %shift_left3A = arith.constant 16 : i32
    %shift_left3A_8 = vector.broadcast %shift_left3A : i32 to vector<6400x128xi32>
    %shift_left3A_9 = arith.shli %get3A_7, %shift_left3A_8 : vector<6400x128xi32>
    %bitcast_convert_type3A = tpu.bitcast %shift_left3A_9 : vector<6400x128xi32> -> vector<6400x128xf32>
    %and3A = arith.constant -65536 : i32
    %and3A_10 = vector.broadcast %and3A : i32 to vector<6400x128xi32>
    %and3A_11 = arith.andi %get3A_7, %and3A_10 : vector<6400x128xi32>
    %bitcast_convert_type3A_12 = tpu.bitcast %and3A_11 : vector<6400x128xi32> -> vector<6400x128xf32>
    %get3A_13 = arith.constant 0 : index
    %get3A_14 = arith.constant 0 : index
    %get3A_15 = vector.load %arg5[%get3A_13, %get3A_14] : memref<16x128xbf16, #tpu.memory_space<vmem>>, vector<16x128xbf16>
    %dot_general3A = arith.constant dense<0.000000e+00> : vector<6400x128xf32>
    %dot_general3A_16 = tpu.matmul %convert_element_type3A, %get3A_15, %dot_general3A {dimension_numbers = #tpu.dot_dimension_numbers<[1], [0], [0], [1], [0, 0, 1, 1], [], []>, transpose_lhs_hint = false} : vector<6400x16xbf16>, vector<16x128xbf16>, vector<6400x128xf32> -> vector<6400x128xf32>
    %add3A = arith.addf %bitcast_convert_type3A, %dot_general3A_16 : vector<6400x128xf32>
    %convert_element_type3A_17 = arith.truncf %get3A_1 : vector<200x128xf32> to vector<200x128xbf16>
    %get3A_18 = arith.constant 0 : index
    %get3A_19 = arith.constant 0 : index
    %get3A_20 = vector.load %arg4[%get3A_18, %get3A_19] : memref<128x128xbf16, #tpu.memory_space<vmem>>, vector<128x128xbf16>
    %dot_general3A_21 = arith.constant dense<0.000000e+00> : vector<200x128xf32>
    %dot_general3A_22 = tpu.matmul %convert_element_type3A_17, %get3A_20, %dot_general3A_21 {dimension_numbers = #tpu.dot_dimension_numbers<[1], [0], [0], [1], [0, 0, 1, 1], [], []>, transpose_lhs_hint = false} : vector<200x128xbf16>, vector<128x128xbf16>, vector<200x128xf32> -> vector<200x128xf32>
    %get3A_23 = arith.constant 0 : index
    %get3A_24 = arith.constant 0 : index
    %get3A_25 = vector.load %arg7[%get3A_23, %get3A_24] : memref<1x128xf32, #tpu.memory_space<vmem>>, vector<1x128xf32>
    %add3A_26 = vector.broadcast %get3A_25 : vector<1x128xf32> to vector<200x128xf32>
    %add3A_27 = arith.addf %dot_general3A_22, %add3A_26 : vector<200x128xf32>
    %reshape3A = vector.shape_cast %add3A : vector<6400x128xf32> to vector<200x32x128xf32>
    %broadcast_in_dim3A = vector.shape_cast %add3A_27 : vector<200x128xf32> to vector<200x1x128xf32>
    %add3A_28 = vector.broadcast %broadcast_in_dim3A : vector<200x1x128xf32> to vector<200x32x128xf32>
    %add3A_29 = arith.addf %reshape3A, %add3A_28 : vector<200x32x128xf32>
    %max3A = arith.constant 0.000000e+00 : f32
    %max3A_30 = vector.broadcast %max3A : f32 to vector<200x32x128xf32>
    %max3A_31 = arith.maximumf %add3A_29, %max3A_30 : vector<200x32x128xf32>
    %get3A_32 = arith.constant 0 : index
    %get3A_33 = arith.constant 0 : index
    %get3A_34 = vector.load %arg6[%get3A_32, %get3A_33] : memref<16x128xbf16, #tpu.memory_space<vmem>>, vector<16x128xbf16>
    %dot_general3A_35 = arith.constant dense<0.000000e+00> : vector<6400x128xf32>
    %dot_general3A_36 = tpu.matmul %convert_element_type3A, %get3A_34, %dot_general3A_35 {dimension_numbers = #tpu.dot_dimension_numbers<[1], [0], [0], [1], [0, 0, 1, 1], [], []>, transpose_lhs_hint = false} : vector<6400x16xbf16>, vector<16x128xbf16>, vector<6400x128xf32> -> vector<6400x128xf32>
    %add3A_37 = arith.addf %bitcast_convert_type3A_12, %dot_general3A_36 : vector<6400x128xf32>
    %exp23A = math.exp2 %add3A_37 : vector<6400x128xf32>
    %reshape3A_38 = vector.shape_cast %exp23A : vector<6400x128xf32> to vector<200x32x128xf32>
    %mul3A = arith.mulf %reshape3A_38, %max3A_31 : vector<200x32x128xf32>
    %reduce_sum3A = arith.constant dense<0.000000e+00> : vector<200x128xf32>
    %reduce_sum3A_39 = vector.multi_reduction <add>, %mul3A, %reduce_sum3A [1] : vector<200x32x128xf32> to vector<200x128xf32>
    %reduce_sum3A_40 = arith.constant dense<0.000000e+00> : vector<200x128xf32>
    %reduce_sum3A_41 = vector.multi_reduction <add>, %reshape3A_38, %reduce_sum3A_40 [1] : vector<200x32x128xf32> to vector<200x128xf32>
    %div3A = arith.divf %reduce_sum3A_39, %reduce_sum3A_41 : vector<200x128xf32>
    %get3A_42 = arith.constant 0 : index
    %get3A_43 = arith.constant 0 : index
    %get3A_44 = vector.load %arg8[%get3A_42, %get3A_43] : memref<1x128xf32, #tpu.memory_space<vmem>>, vector<1x128xf32>
    %mul3A_45 = vector.broadcast %get3A_44 : vector<1x128xf32> to vector<200x128xf32>
    %mul3A_46 = arith.mulf %div3A, %mul3A_45 : vector<200x128xf32>
    %add3A_47 = arith.addf %get3A_1, %mul3A_46 : vector<200x128xf32>
    %get3A_48 = arith.constant 0 : index
    %get3A_49 = arith.constant 0 : index
    %get3A_50 = vector.load %arg9[%get3A_48, %get3A_49] : memref<1x128xf32, #tpu.memory_space<vmem>>, vector<1x128xf32>
    %add3A_51 = vector.broadcast %get3A_50 : vector<1x128xf32> to vector<200x128xf32>
    %add3A_52 = arith.addf %add3A_47, %add3A_51 : vector<200x128xf32>
    %max3A_53 = arith.constant 0.000000e+00 : f32
    %max3A_54 = vector.broadcast %max3A_53 : f32 to vector<200x128xf32>
    %max3A_55 = arith.maximumf %add3A_52, %max3A_54 : vector<200x128xf32>
    %swap3A = arith.constant 0 : index
    %swap3A_56 = arith.constant 0 : index
    %swap3A_57 = vector.load %arg10[%swap3A, %swap3A_56] : memref<200x128xf32, #tpu.memory_space<vmem>>, vector<200x128xf32>
    tpu.vector_store %arg10[%swap3A, %swap3A_56], %max3A_55 {strides = array<i32>} : memref<200x128xf32, #tpu.memory_space<vmem>>, vector<200x128xf32>,
    return
  }
  func.func @transform_0(%arg0: i32) -> (i32, i32) {
    %add3A = arith.constant 34 : i32
    %add3A_0 = arith.addi %arg0, %add3A : i32
    %c0_i32 = arith.constant 0 : i32
    %c0_i32_1 = arith.constant 0 : i32
    return %add3A_0, %c0_i32 : i32, i32
  }
  func.func @transform_1(%arg0: i32) -> (i32, i32) {
    %c0_i32 = arith.constant 0 : i32
    %c0_i32_0 = arith.constant 0 : i32
    return %arg0, %c0_i32 : i32, i32
  }
  func.func @transform_2(%arg0: i32) -> (i32, i32) {
    %add3A = arith.constant 34 : i32
    %add3A_0 = arith.addi %arg0, %add3A : i32
    %c0_i32 = arith.constant 0 : i32
    %c0_i32_1 = arith.constant 0 : i32
    return %add3A_0, %c0_i32 : i32, i32
  }
  func.func @transform_3(%arg0: i32) -> (i32, i32) {
    %c0_i32 = arith.constant 0 : i32
    %c0_i32_0 = arith.constant 0 : i32
    %c0_i32_1 = arith.constant 0 : i32
    return %c0_i32, %c0_i32_0 : i32, i32
  }
  func.func @transform_4(%arg0: i32) -> (i32, i32) {
    %c0_i32 = arith.constant 0 : i32
    %c0_i32_0 = arith.constant 0 : i32
    %c0_i32_1 = arith.constant 0 : i32
    return %c0_i32, %c0_i32_0 : i32, i32
  }
  func.func @transform_5(%arg0: i32) -> (i32, i32) {
    %c0_i32 = arith.constant 0 : i32
    %c0_i32_0 = arith.constant 0 : i32
    %c0_i32_1 = arith.constant 0 : i32
    return %c0_i32, %c0_i32_0 : i32, i32
  }
  func.func @transform_6(%arg0: i32) -> (i32, i32) {
    %c0_i32 = arith.constant 0 : i32
    %c0_i32_0 = arith.constant 0 : i32
    %c0_i32_1 = arith.constant 0 : i32
    return %c0_i32, %c0_i32_0 : i32, i32
  }
  func.func @transform_7(%arg0: i32) -> (i32, i32) {
    %c0_i32 = arith.constant 0 : i32
    %c0_i32_0 = arith.constant 0 : i32
    %c0_i32_1 = arith.constant 0 : i32
    return %c0_i32, %c0_i32_0 : i32, i32
  }
  func.func @transform_8(%arg0: i32) -> (i32, i32) {
    %c0_i32 = arith.constant 0 : i32
    %c0_i32_0 = arith.constant 0 : i32
    %c0_i32_1 = arith.constant 0 : i32
    return %c0_i32, %c0_i32_0 : i32, i32
  }
  func.func @transform_9(%arg0: i32) -> (i32, i32) {
    %c0_i32 = arith.constant 0 : i32
    %c0_i32_0 = arith.constant 0 : i32
    return %arg0, %c0_i32 : i32, i32
  }
}

module attributes {stable_mosaic.version = 14 : i64} {
  func.func @_k2_body(%arg0: i32, %arg1: memref<200x128xf32, #tpu.memory_space<vmem>>, %arg2: memref<6400x128xi32, #tpu.memory_space<vmem>>, %arg3: memref<6400x16xf32, #tpu.memory_space<vmem>>, %arg4: memref<128x128xbf16, #tpu.memory_space<vmem>>, %arg5: memref<16x128xbf16, #tpu.memory_space<vmem>>, %arg6: memref<16x128xbf16, #tpu.memory_space<vmem>>, %arg7: memref<1x128xf32, #tpu.memory_space<vmem>>, %arg8: memref<1x128xf32, #tpu.memory_space<vmem>>, %arg9: memref<1x128xf32, #tpu.memory_space<vmem>>, %arg10: memref<200x128xf32, #tpu.memory_space<vmem>>) attributes {dimension_semantics = [#tpu.dimension_semantics<parallel>], iteration_bounds = array<i64: 17>, scalar_prefetch = 0 : i64, scratch_operands = 0 : i64, tpu.core_type = #tpu.core_type<tc>, window_params = [{transform_indices = @transform_0, window_bounds = array<i64: 200, 128>}, {transform_indices = @transform_1, window_bounds = array<i64: 6400, 128>}, {transform_indices = @transform_2, window_bounds = array<i64: 6400, 16>}, {pipeline_mode = #tpu.pipeline_mode<synchronous>, transform_indices = @transform_3, window_bounds = array<i64: 128, 128>}, {pipeline_mode = #tpu.pipeline_mode<synchronous>, transform_indices = @transform_4, window_bounds = array<i64: 16, 128>}, {pipeline_mode = #tpu.pipeline_mode<synchronous>, transform_indices = @transform_5, window_bounds = array<i64: 16, 128>}, {pipeline_mode = #tpu.pipeline_mode<synchronous>, transform_indices = @transform_6, window_bounds = array<i64: 1, 128>}, {pipeline_mode = #tpu.pipeline_mode<synchronous>, transform_indices = @transform_7, window_bounds = array<i64: 1, 128>}, {pipeline_mode = #tpu.pipeline_mode<synchronous>, transform_indices = @transform_8, window_bounds = array<i64: 1, 128>}, {transform_indices = @transform_9, window_bounds = array<i64: 200, 128>}]} {
    %get3A = arith.constant 0 : index
    %get3A_0 = arith.constant 0 : index
    %get3A_1 = vector.load %arg1[%get3A, %get3A_0] : memref<200x128xf32, #tpu.memory_space<vmem>>, vector<200x128xf32>
    %get3A_2 = arith.constant 0 : index
    %get3A_3 = arith.constant 0 : index
    %get3A_4 = vector.load %arg3[%get3A_2, %get3A_3] : memref<6400x16xf32, #tpu.memory_space<vmem>>, vector<6400x16xf32>
    %get3A_5 = arith.constant 0 : index
    %get3A_6 = arith.constant 0 : index
    %get3A_7 = vector.load %arg2[%get3A_5, %get3A_6] : memref<6400x128xi32, #tpu.memory_space<vmem>>, vector<6400x128xi32>
    %convert_element_type3A = arith.truncf %get3A_4 : vector<6400x16xf32> to vector<6400x16xbf16>
    %shift_left3A = arith.constant 16 : i32
    %shift_left3A_8 = vector.broadcast %shift_left3A : i32 to vector<6400x128xi32>
    %shift_left3A_9 = arith.shli %get3A_7, %shift_left3A_8 : vector<6400x128xi32>
    %bitcast_convert_type3A = tpu.bitcast %shift_left3A_9 : vector<6400x128xi32> -> vector<6400x128xf32>
    %and3A = arith.constant -65536 : i32
    %and3A_10 = vector.broadcast %and3A : i32 to vector<6400x128xi32>
    %and3A_11 = arith.andi %get3A_7, %and3A_10 : vector<6400x128xi32>
    %bitcast_convert_type3A_12 = tpu.bitcast %and3A_11 : vector<6400x128xi32> -> vector<6400x128xf32>
    %get3A_13 = arith.constant 0 : index
    %get3A_14 = arith.constant 0 : index
    %get3A_15 = vector.load %arg5[%get3A_13, %get3A_14] : memref<16x128xbf16, #tpu.memory_space<vmem>>, vector<16x128xbf16>
    %dot_general3A = arith.constant dense<0.000000e+00> : vector<6400x128xf32>
    %dot_general3A_16 = tpu.matmul %convert_element_type3A, %get3A_15, %dot_general3A {dimension_numbers = #tpu.dot_dimension_numbers<[1], [0], [0], [1], [0, 0, 1, 1], [], []>, transpose_lhs_hint = false} : vector<6400x16xbf16>, vector<16x128xbf16>, vector<6400x128xf32> -> vector<6400x128xf32>
    %add3A = arith.addf %bitcast_convert_type3A, %dot_general3A_16 : vector<6400x128xf32>
    %convert_element_type3A_17 = arith.truncf %get3A_1 : vector<200x128xf32> to vector<200x128xbf16>
    %get3A_18 = arith.constant 0 : index
    %get3A_19 = arith.constant 0 : index
    %get3A_20 = vector.load %arg4[%get3A_18, %get3A_19] : memref<128x128xbf16, #tpu.memory_space<vmem>>, vector<128x128xbf16>
    %dot_general3A_21 = arith.constant dense<0.000000e+00> : vector<200x128xf32>
    %dot_general3A_22 = tpu.matmul %convert_element_type3A_17, %get3A_20, %dot_general3A_21 {dimension_numbers = #tpu.dot_dimension_numbers<[1], [0], [0], [1], [0, 0, 1, 1], [], []>, transpose_lhs_hint = false} : vector<200x128xbf16>, vector<128x128xbf16>, vector<200x128xf32> -> vector<200x128xf32>
    %get3A_23 = arith.constant 0 : index
    %get3A_24 = arith.constant 0 : index
    %get3A_25 = vector.load %arg7[%get3A_23, %get3A_24] : memref<1x128xf32, #tpu.memory_space<vmem>>, vector<1x128xf32>
    %add3A_26 = vector.broadcast %get3A_25 : vector<1x128xf32> to vector<200x128xf32>
    %add3A_27 = arith.addf %dot_general3A_22, %add3A_26 : vector<200x128xf32>
    %reshape3A = vector.shape_cast %add3A : vector<6400x128xf32> to vector<200x32x128xf32>
    %broadcast_in_dim3A = vector.shape_cast %add3A_27 : vector<200x128xf32> to vector<200x1x128xf32>
    %add3A_28 = vector.broadcast %broadcast_in_dim3A : vector<200x1x128xf32> to vector<200x32x128xf32>
    %add3A_29 = arith.addf %reshape3A, %add3A_28 : vector<200x32x128xf32>
    %max3A = arith.constant 0.000000e+00 : f32
    %max3A_30 = vector.broadcast %max3A : f32 to vector<200x32x128xf32>
    %max3A_31 = arith.maximumf %add3A_29, %max3A_30 : vector<200x32x128xf32>
    %get3A_32 = arith.constant 0 : index
    %get3A_33 = arith.constant 0 : index
    %get3A_34 = vector.load %arg6[%get3A_32, %get3A_33] : memref<16x128xbf16, #tpu.memory_space<vmem>>, vector<16x128xbf16>
    %dot_general3A_35 = arith.constant dense<0.000000e+00> : vector<6400x128xf32>
    %dot_general3A_36 = tpu.matmul %convert_element_type3A, %get3A_34, %dot_general3A_35 {dimension_numbers = #tpu.dot_dimension_numbers<[1], [0], [0], [1], [0, 0, 1, 1], [], []>, transpose_lhs_hint = false} : vector<6400x16xbf16>, vector<16x128xbf16>, vector<6400x128xf32> -> vector<6400x128xf32>
    %add3A_37 = arith.addf %bitcast_convert_type3A_12, %dot_general3A_36 : vector<6400x128xf32>
    %exp23A = math.exp2 %add3A_37 : vector<6400x128xf32>
    %reshape3A_38 = vector.shape_cast %exp23A : vector<6400x128xf32> to vector<200x32x128xf32>
    %mul3A = arith.mulf %reshape3A_38, %max3A_31 : vector<200x32x128xf32>
    %reduce_sum3A = arith.constant dense<0.000000e+00> : vector<200x128xf32>
    %reduce_sum3A_39 = vector.multi_reduction <add>, %mul3A, %reduce_sum3A [1] : vector<200x32x128xf32> to vector<200x128xf32>
    %reduce_sum3A_40 = arith.constant dense<0.000000e+00> : vector<200x128xf32>
    %reduce_sum3A_41 = vector.multi_reduction <add>, %reshape3A_38, %reduce_sum3A_40 [1] : vector<200x32x128xf32> to vector<200x128xf32>
    %div3A = arith.divf %reduce_sum3A_39, %reduce_sum3A_41 : vector<200x128xf32>
    %get3A_42 = arith.constant 0 : index
    %get3A_43 = arith.constant 0 : index
    %get3A_44 = vector.load %arg8[%get3A_42, %get3A_43] : memref<1x128xf32, #tpu.memory_space<vmem>>, vector<1x128xf32>
    %mul3A_45 = vector.broadcast %get3A_44 : vector<1x128xf32> to vector<200x128xf32>
    %mul3A_46 = arith.mulf %div3A, %mul3A_45 : vector<200x128xf32>
    %add3A_47 = arith.addf %get3A_1, %mul3A_46 : vector<200x128xf32>
    %get3A_48 = arith.constant 0 : index
    %get3A_49 = arith.constant 0 : index
    %get3A_50 = vector.load %arg9[%get3A_48, %get3A_49] : memref<1x128xf32, #tpu.memory_space<vmem>>, vector<1x128xf32>
    %add3A_51 = vector.broadcast %get3A_50 : vector<1x128xf32> to vector<200x128xf32>
    %add3A_52 = arith.addf %add3A_47, %add3A_51 : vector<200x128xf32>
    %max3A_53 = arith.constant 0.000000e+00 : f32
    %max3A_54 = vector.broadcast %max3A_53 : f32 to vector<200x128xf32>
    %max3A_55 = arith.maximumf %add3A_52, %max3A_54 : vector<200x128xf32>
    %swap3A = arith.constant 0 : index
    %swap3A_56 = arith.constant 0 : index
    %swap3A_57 = vector.load %arg10[%swap3A, %swap3A_56] : memref<200x128xf32, #tpu.memory_space<vmem>>, vector<200x128xf32>
    tpu.vector_store %arg10[%swap3A, %swap3A_56], %max3A_55 {strides = array<i32>} : memref<200x128xf32, #tpu.memory_space<vmem>>, vector<200x128xf32>,
    return
  }
  func.func @transform_0(%arg0: i32) -> (i32, i32) {
    %add3A = arith.constant 17 : i32
    %add3A_0 = arith.addi %arg0, %add3A : i32
    %c0_i32 = arith.constant 0 : i32
    %c0_i32_1 = arith.constant 0 : i32
    return %add3A_0, %c0_i32 : i32, i32
  }
  func.func @transform_1(%arg0: i32) -> (i32, i32) {
    %c0_i32 = arith.constant 0 : i32
    %c0_i32_0 = arith.constant 0 : i32
    return %arg0, %c0_i32 : i32, i32
  }
  func.func @transform_2(%arg0: i32) -> (i32, i32) {
    %add3A = arith.constant 17 : i32
    %add3A_0 = arith.addi %arg0, %add3A : i32
    %c0_i32 = arith.constant 0 : i32
    %c0_i32_1 = arith.constant 0 : i32
    return %add3A_0, %c0_i32 : i32, i32
  }
  func.func @transform_3(%arg0: i32) -> (i32, i32) {
    %c0_i32 = arith.constant 0 : i32
    %c0_i32_0 = arith.constant 0 : i32
    %c0_i32_1 = arith.constant 0 : i32
    return %c0_i32, %c0_i32_0 : i32, i32
  }
  func.func @transform_4(%arg0: i32) -> (i32, i32) {
    %c0_i32 = arith.constant 0 : i32
    %c0_i32_0 = arith.constant 0 : i32
    %c0_i32_1 = arith.constant 0 : i32
    return %c0_i32, %c0_i32_0 : i32, i32
  }
  func.func @transform_5(%arg0: i32) -> (i32, i32) {
    %c0_i32 = arith.constant 0 : i32
    %c0_i32_0 = arith.constant 0 : i32
    %c0_i32_1 = arith.constant 0 : i32
    return %c0_i32, %c0_i32_0 : i32, i32
  }
  func.func @transform_6(%arg0: i32) -> (i32, i32) {
    %c0_i32 = arith.constant 0 : i32
    %c0_i32_0 = arith.constant 0 : i32
    %c0_i32_1 = arith.constant 0 : i32
    return %c0_i32, %c0_i32_0 : i32, i32
  }
  func.func @transform_7(%arg0: i32) -> (i32, i32) {
    %c0_i32 = arith.constant 0 : i32
    %c0_i32_0 = arith.constant 0 : i32
    %c0_i32_1 = arith.constant 0 : i32
    return %c0_i32, %c0_i32_0 : i32, i32
  }
  func.func @transform_8(%arg0: i32) -> (i32, i32) {
    %c0_i32 = arith.constant 0 : i32
    %c0_i32_0 = arith.constant 0 : i32
    %c0_i32_1 = arith.constant 0 : i32
    return %c0_i32, %c0_i32_0 : i32, i32
  }
  func.func @transform_9(%arg0: i32) -> (i32, i32) {
    %c0_i32 = arith.constant 0 : i32
    %c0_i32_0 = arith.constant 0 : i32
    return %arg0, %c0_i32 : i32, i32
  }
}

module attributes {stable_mosaic.version = 14 : i64} {
  func.func @_k2_body(%arg0: i32, %arg1: memref<200x128xf32, #tpu.memory_space<vmem>>, %arg2: memref<6400x128xi32, #tpu.memory_space<vmem>>, %arg3: memref<6400x16xf32, #tpu.memory_space<vmem>>, %arg4: memref<128x128xbf16, #tpu.memory_space<vmem>>, %arg5: memref<16x128xbf16, #tpu.memory_space<vmem>>, %arg6: memref<16x128xbf16, #tpu.memory_space<vmem>>, %arg7: memref<1x128xf32, #tpu.memory_space<vmem>>, %arg8: memref<1x128xf32, #tpu.memory_space<vmem>>, %arg9: memref<1x128xf32, #tpu.memory_space<vmem>>, %arg10: memref<200x128xf32, #tpu.memory_space<vmem>>) attributes {dimension_semantics = [#tpu.dimension_semantics<parallel>], iteration_bounds = array<i64: 17>, scalar_prefetch = 0 : i64, scratch_operands = 0 : i64, tpu.core_type = #tpu.core_type<tc>, window_params = [{transform_indices = @transform_0, window_bounds = array<i64: 200, 128>}, {transform_indices = @transform_1, window_bounds = array<i64: 6400, 128>}, {transform_indices = @transform_2, window_bounds = array<i64: 6400, 16>}, {pipeline_mode = #tpu.pipeline_mode<synchronous>, transform_indices = @transform_3, window_bounds = array<i64: 128, 128>}, {pipeline_mode = #tpu.pipeline_mode<synchronous>, transform_indices = @transform_4, window_bounds = array<i64: 16, 128>}, {pipeline_mode = #tpu.pipeline_mode<synchronous>, transform_indices = @transform_5, window_bounds = array<i64: 16, 128>}, {pipeline_mode = #tpu.pipeline_mode<synchronous>, transform_indices = @transform_6, window_bounds = array<i64: 1, 128>}, {pipeline_mode = #tpu.pipeline_mode<synchronous>, transform_indices = @transform_7, window_bounds = array<i64: 1, 128>}, {pipeline_mode = #tpu.pipeline_mode<synchronous>, transform_indices = @transform_8, window_bounds = array<i64: 1, 128>}, {transform_indices = @transform_9, window_bounds = array<i64: 200, 128>}]} {
    %get3A = arith.constant 0 : index
    %get3A_0 = arith.constant 0 : index
    %get3A_1 = vector.load %arg1[%get3A, %get3A_0] : memref<200x128xf32, #tpu.memory_space<vmem>>, vector<200x128xf32>
    %get3A_2 = arith.constant 0 : index
    %get3A_3 = arith.constant 0 : index
    %get3A_4 = vector.load %arg3[%get3A_2, %get3A_3] : memref<6400x16xf32, #tpu.memory_space<vmem>>, vector<6400x16xf32>
    %get3A_5 = arith.constant 0 : index
    %get3A_6 = arith.constant 0 : index
    %get3A_7 = vector.load %arg2[%get3A_5, %get3A_6] : memref<6400x128xi32, #tpu.memory_space<vmem>>, vector<6400x128xi32>
    %convert_element_type3A = arith.truncf %get3A_4 : vector<6400x16xf32> to vector<6400x16xbf16>
    %shift_left3A = arith.constant 16 : i32
    %shift_left3A_8 = vector.broadcast %shift_left3A : i32 to vector<6400x128xi32>
    %shift_left3A_9 = arith.shli %get3A_7, %shift_left3A_8 : vector<6400x128xi32>
    %bitcast_convert_type3A = tpu.bitcast %shift_left3A_9 : vector<6400x128xi32> -> vector<6400x128xf32>
    %and3A = arith.constant -65536 : i32
    %and3A_10 = vector.broadcast %and3A : i32 to vector<6400x128xi32>
    %and3A_11 = arith.andi %get3A_7, %and3A_10 : vector<6400x128xi32>
    %bitcast_convert_type3A_12 = tpu.bitcast %and3A_11 : vector<6400x128xi32> -> vector<6400x128xf32>
    %get3A_13 = arith.constant 0 : index
    %get3A_14 = arith.constant 0 : index
    %get3A_15 = vector.load %arg5[%get3A_13, %get3A_14] : memref<16x128xbf16, #tpu.memory_space<vmem>>, vector<16x128xbf16>
    %dot_general3A = arith.constant dense<0.000000e+00> : vector<6400x128xf32>
    %dot_general3A_16 = tpu.matmul %convert_element_type3A, %get3A_15, %dot_general3A {dimension_numbers = #tpu.dot_dimension_numbers<[1], [0], [0], [1], [0, 0, 1, 1], [], []>, transpose_lhs_hint = false} : vector<6400x16xbf16>, vector<16x128xbf16>, vector<6400x128xf32> -> vector<6400x128xf32>
    %add3A = arith.addf %bitcast_convert_type3A, %dot_general3A_16 : vector<6400x128xf32>
    %convert_element_type3A_17 = arith.truncf %get3A_1 : vector<200x128xf32> to vector<200x128xbf16>
    %get3A_18 = arith.constant 0 : index
    %get3A_19 = arith.constant 0 : index
    %get3A_20 = vector.load %arg4[%get3A_18, %get3A_19] : memref<128x128xbf16, #tpu.memory_space<vmem>>, vector<128x128xbf16>
    %dot_general3A_21 = arith.constant dense<0.000000e+00> : vector<200x128xf32>
    %dot_general3A_22 = tpu.matmul %convert_element_type3A_17, %get3A_20, %dot_general3A_21 {dimension_numbers = #tpu.dot_dimension_numbers<[1], [0], [0], [1], [0, 0, 1, 1], [], []>, transpose_lhs_hint = false} : vector<200x128xbf16>, vector<128x128xbf16>, vector<200x128xf32> -> vector<200x128xf32>
    %get3A_23 = arith.constant 0 : index
    %get3A_24 = arith.constant 0 : index
    %get3A_25 = vector.load %arg7[%get3A_23, %get3A_24] : memref<1x128xf32, #tpu.memory_space<vmem>>, vector<1x128xf32>
    %add3A_26 = vector.broadcast %get3A_25 : vector<1x128xf32> to vector<200x128xf32>
    %add3A_27 = arith.addf %dot_general3A_22, %add3A_26 : vector<200x128xf32>
    %reshape3A = vector.shape_cast %add3A : vector<6400x128xf32> to vector<200x32x128xf32>
    %broadcast_in_dim3A = vector.shape_cast %add3A_27 : vector<200x128xf32> to vector<200x1x128xf32>
    %add3A_28 = vector.broadcast %broadcast_in_dim3A : vector<200x1x128xf32> to vector<200x32x128xf32>
    %add3A_29 = arith.addf %reshape3A, %add3A_28 : vector<200x32x128xf32>
    %max3A = arith.constant 0.000000e+00 : f32
    %max3A_30 = vector.broadcast %max3A : f32 to vector<200x32x128xf32>
    %max3A_31 = arith.maximumf %add3A_29, %max3A_30 : vector<200x32x128xf32>
    %get3A_32 = arith.constant 0 : index
    %get3A_33 = arith.constant 0 : index
    %get3A_34 = vector.load %arg6[%get3A_32, %get3A_33] : memref<16x128xbf16, #tpu.memory_space<vmem>>, vector<16x128xbf16>
    %dot_general3A_35 = arith.constant dense<0.000000e+00> : vector<6400x128xf32>
    %dot_general3A_36 = tpu.matmul %convert_element_type3A, %get3A_34, %dot_general3A_35 {dimension_numbers = #tpu.dot_dimension_numbers<[1], [0], [0], [1], [0, 0, 1, 1], [], []>, transpose_lhs_hint = false} : vector<6400x16xbf16>, vector<16x128xbf16>, vector<6400x128xf32> -> vector<6400x128xf32>
    %add3A_37 = arith.addf %bitcast_convert_type3A_12, %dot_general3A_36 : vector<6400x128xf32>
    %exp23A = math.exp2 %add3A_37 : vector<6400x128xf32>
    %reshape3A_38 = vector.shape_cast %exp23A : vector<6400x128xf32> to vector<200x32x128xf32>
    %mul3A = arith.mulf %reshape3A_38, %max3A_31 : vector<200x32x128xf32>
    %reduce_sum3A = arith.constant dense<0.000000e+00> : vector<200x128xf32>
    %reduce_sum3A_39 = vector.multi_reduction <add>, %mul3A, %reduce_sum3A [1] : vector<200x32x128xf32> to vector<200x128xf32>
    %reduce_sum3A_40 = arith.constant dense<0.000000e+00> : vector<200x128xf32>
    %reduce_sum3A_41 = vector.multi_reduction <add>, %reshape3A_38, %reduce_sum3A_40 [1] : vector<200x32x128xf32> to vector<200x128xf32>
    %div3A = arith.divf %reduce_sum3A_39, %reduce_sum3A_41 : vector<200x128xf32>
    %get3A_42 = arith.constant 0 : index
    %get3A_43 = arith.constant 0 : index
    %get3A_44 = vector.load %arg8[%get3A_42, %get3A_43] : memref<1x128xf32, #tpu.memory_space<vmem>>, vector<1x128xf32>
    %mul3A_45 = vector.broadcast %get3A_44 : vector<1x128xf32> to vector<200x128xf32>
    %mul3A_46 = arith.mulf %div3A, %mul3A_45 : vector<200x128xf32>
    %add3A_47 = arith.addf %get3A_1, %mul3A_46 : vector<200x128xf32>
    %get3A_48 = arith.constant 0 : index
    %get3A_49 = arith.constant 0 : index
    %get3A_50 = vector.load %arg9[%get3A_48, %get3A_49] : memref<1x128xf32, #tpu.memory_space<vmem>>, vector<1x128xf32>
    %add3A_51 = vector.broadcast %get3A_50 : vector<1x128xf32> to vector<200x128xf32>
    %add3A_52 = arith.addf %add3A_47, %add3A_51 : vector<200x128xf32>
    %max3A_53 = arith.constant 0.000000e+00 : f32
    %max3A_54 = vector.broadcast %max3A_53 : f32 to vector<200x128xf32>
    %max3A_55 = arith.maximumf %add3A_52, %max3A_54 : vector<200x128xf32>
    %swap3A = arith.constant 0 : index
    %swap3A_56 = arith.constant 0 : index
    %swap3A_57 = vector.load %arg10[%swap3A, %swap3A_56] : memref<200x128xf32, #tpu.memory_space<vmem>>, vector<200x128xf32>
    tpu.vector_store %arg10[%swap3A, %swap3A_56], %max3A_55 {strides = array<i32>} : memref<200x128xf32, #tpu.memory_space<vmem>>, vector<200x128xf32>,
    return
  }
  func.func @transform_0(%arg0: i32) -> (i32, i32) {
    %add3A = arith.constant 0 : i32
    %add3A_0 = arith.addi %arg0, %add3A : i32
    %c0_i32 = arith.constant 0 : i32
    %c0_i32_1 = arith.constant 0 : i32
    return %add3A_0, %c0_i32 : i32, i32
  }
  func.func @transform_1(%arg0: i32) -> (i32, i32) {
    %c0_i32 = arith.constant 0 : i32
    %c0_i32_0 = arith.constant 0 : i32
    return %arg0, %c0_i32 : i32, i32
  }
  func.func @transform_2(%arg0: i32) -> (i32, i32) {
    %add3A = arith.constant 0 : i32
    %add3A_0 = arith.addi %arg0, %add3A : i32
    %c0_i32 = arith.constant 0 : i32
    %c0_i32_1 = arith.constant 0 : i32
    return %add3A_0, %c0_i32 : i32, i32
  }
  func.func @transform_3(%arg0: i32) -> (i32, i32) {
    %c0_i32 = arith.constant 0 : i32
    %c0_i32_0 = arith.constant 0 : i32
    %c0_i32_1 = arith.constant 0 : i32
    return %c0_i32, %c0_i32_0 : i32, i32
  }
  func.func @transform_4(%arg0: i32) -> (i32, i32) {
    %c0_i32 = arith.constant 0 : i32
    %c0_i32_0 = arith.constant 0 : i32
    %c0_i32_1 = arith.constant 0 : i32
    return %c0_i32, %c0_i32_0 : i32, i32
  }
  func.func @transform_5(%arg0: i32) -> (i32, i32) {
    %c0_i32 = arith.constant 0 : i32
    %c0_i32_0 = arith.constant 0 : i32
    %c0_i32_1 = arith.constant 0 : i32
    return %c0_i32, %c0_i32_0 : i32, i32
  }
  func.func @transform_6(%arg0: i32) -> (i32, i32) {
    %c0_i32 = arith.constant 0 : i32
    %c0_i32_0 = arith.constant 0 : i32
    %c0_i32_1 = arith.constant 0 : i32
    return %c0_i32, %c0_i32_0 : i32, i32
  }
  func.func @transform_7(%arg0: i32) -> (i32, i32) {
    %c0_i32 = arith.constant 0 : i32
    %c0_i32_0 = arith.constant 0 : i32
    %c0_i32_1 = arith.constant 0 : i32
    return %c0_i32, %c0_i32_0 : i32, i32
  }
  func.func @transform_8(%arg0: i32) -> (i32, i32) {
    %c0_i32 = arith.constant 0 : i32
    %c0_i32_0 = arith.constant 0 : i32
    %c0_i32_1 = arith.constant 0 : i32
    return %c0_i32, %c0_i32_0 : i32, i32
  }
  func.func @transform_9(%arg0: i32) -> (i32, i32) {
    %c0_i32 = arith.constant 0 : i32
    %c0_i32_0 = arith.constant 0 : i32
    return %arg0, %c0_i32 : i32, i32
  }
}

</mosaic_0001>

<sc_bundles>
// kernel: kernel.12.cloned.1.call-start
scs
__scs_entry_jumppad:
0x0: {  	(pc) =	sbr.rel $0x88, $3  }
0x1: {  	(tag) =	ssettag $0x0;
	lr =	simm.s32 $0x1  }
0x2: {  	[smem:$0x3F97] =	sst lr;
	_ =	strace $0xD0000000  }
0x3: {  	_ = 	snop  }
0x4: {  	_ = 	snop  }
0x5: {  	_ = 	snop  }
0x6: {  	_ = 	snop  }
0x7: {  	_ = 	snop  }
__scs_overlays_trampoline_lowered:
0x8: {  	[smem:$0x3FA6] =	sst s0  }
0x9: {  	[smem:$0x3FA7] =	sst s1  }
0xa: {  	[smem:$0x3FA8] =	sst s2  }
0xb: {  	[smem:$0x3FA9] =	sst s3  }
0xc: {  	[smem:$0x3FAA] =	sst s4  }
0xd: {  	[smem:$0x3FAB] =	sst s5  }
0xe: {  	[smem:$0x3FAC] =	sst s6  }
0xf: {  	[smem:$0x3FAD] =	sst s7  }
0x10: {  	[smem:$0x3FAE] =	sst s8  }
0x11: {  	[smem:$0x3FAF] =	sst s9;
	s0 =	simm.s32 @!p0 $0x0  }
0x12: {  	s1 =	sld [smem:$0x3F95];
	s0 =	simm.s32 @p0 $0x1  }
0x13: {  	[smem:$0x3FB0] =	sst s0;
	s0 =	simm.s32 @!p1 $0x0  }
0x14: {  	s2 =	sld [smem:$0x3F94];
	s0 =	simm.s32 @p1 $0x1  }
0x15: {  	[smem:$0x3FB1] =	sst s0;
	s0 =	simm.s32 @!p2 $0x0  }
0x16: {  	s3 =	sld [smem:$0x3FDB];
	s0 =	simm.s32 @p2 $0x1  }
0x17: {  	s4 =	simm.s32 $0x1BF5;
	[smem:$0x3FB3] =	sst s0  }
0x18: {  	s0 =	sld [smem:$0x3F96];
	_ =	swait.ge [sflag:s4], $0x0  }
0x19: {  	s7 =	sld [smem:$0x3F97]  }
0x1a: {  	s8 =	sadd.s32 $0xFFFFE003, lr  }
0x1b: {  	s9 =	sadd.s32 $0xFFFFFEF7, lr;
	s5 =	simm.s32 $0xFFFFFFFF;
	p2 =	slt.u32 s8, $0xFFFFF086  }
0x1c: {  	p1 =	slt.u32 s9, $0xF7A;
	s5 =	simm.s32 @!p2 $0x0  }
0x1d: {  	s5 =	simm.s32 @p1 $0x1;
	p0 =	seq.s32 s7, s2  }
0x1e: {  	s7 =	smul.u32 @!p0 $0xF7A, s2;
	p2 =	seq.s32 @!p0 s5, $0x0  }
0x1f: {  	s9 =	smul.u32 $0xF7A, s1;
	s8 =	simm.s32 @!p0 $0x1BF5;
	p2 =	por !p2, p0  }
0x20: {  	[sflag:s8] =	ssyncset.s32 @!p0 $0xFFFFF086;
	s6 =	sadd.s32 @!p0 s3, s7;
	s7 =	simm.s32 @!p0 $0x108  }
0x21: {  	s3 =	sadd.s32 s3, s9;
	s6 =	sadd.s32 @!p0 $0x88, s6;
	s7 =	simm.s32 @p2 $0x1082  }
0x22: {  	[simem:s7], [sflag:s8] =	dma.local @!p0 [hbm:s6], $0xF7A  }
0x23: {  	s9 =	sor.u32 $0xD0000000, s2;
	s6 =	simm.s32 $0x108;
	_ =	swait.ge @!p0 [sflag:s8], $0x0  }
0x24: {  	s3 =	sadd.s32 $0x88, s3;
	s6 =	simm.s32 @!p1 $0x1082;
	[sflag:s4] =	ssyncset.s32 $0xFFFFF086  }
0x25: {  	[simem:s6], [sflag:s4] =	dma.local [hbm:s3], $0xF7A  }
0x26: {  	[smem:$0x3F97] =	sst s1;
	(tag) =	ssettag s2;
	_ =	strace s9  }
0x27: {  	s1 =	sld [smem:$0x3FA7]  }
0x28: {  	s2 =	sld [smem:$0x3FA8]  }
0x29: {  	s4 =	sld [smem:$0x3FAA]  }
0x2a: {  	p0 =	seq.s32 s5, $0x0;
	s5 =	sld [smem:$0x3FAB]  }
0x2b: {  	s6 =	sld [smem:$0x3FAC]  }
0x2c: {  	s7 =	sld [smem:$0x3FAD]  }
0x2d: {  	s3 =	simm.s32 $0x108;
	s8 =	sld [smem:$0x3FAE]  }
0x2e: {  	s3 =	simm.s32 @!p0 $0x1082;
	s9 =	sld [smem:$0x3FAF]  }
0x2f: {  	lr =	sadd.s32 s0, s3;
	s0 =	sld [smem:$0x3FA6]  }
0x30: {  	s3 =	sld [smem:$0x3FA9]  }
0x31: {  	[smem:$0x3FB2] =	sst s10  }
0x32: {  	s10 =	sld [smem:$0x3FB0];
	_ =	sdelay $0x3  }
0x33: {  	p0 =	seq.s32 s10, $0x1;
	s10 =	sld [smem:$0x3FB2];
	_ =	sdelay $0x3  }
0x34: {  	[smem:$0x3FB2] =	sst s10  }
0x35: {  	s10 =	sld [smem:$0x3FB1];
	_ =	sdelay $0x3  }
0x36: {  	p1 =	seq.s32 s10, $0x1;
	s10 =	sld [smem:$0x3FB2];
	_ =	sdelay $0x3  }
0x37: {  	[smem:$0x3FB2] =	sst s10  }
0x38: {  	s10 =	sld [smem:$0x3FB3]  }
0x39: {  	_ = 	snop;
	(pc) =	sbr.ind lr, $3  }
0x3a: {  	_ = 	snop  }
0x3b: {  	_ = 	snop  }
0x3c: {  	p2 =	seq.s32 s10, $0x1;
	s10 =	sld [smem:$0x3FB2]  }
0x3d: {  	_ =	shalt  }
0x3e: {  	_ =	shalt  }
0x3f: {  	_ =	shalt  }
0x40: {  	_ =	shalt  }
0x41: {  	_ =	shalt  }
0x42: {  	_ =	shalt  }
0x43: {  	_ =	shalt  }
0x44: {  	_ =	shalt  }
0x45: {  	_ =	shalt  }
0x46: {  	_ =	shalt  }
0x47: {  	_ =	shalt  }
0x48: {  	_ =	shalt  }
0x49: {  	_ =	shalt  }
0x4a: {  	_ =	shalt  }
0x4b: {  	_ =	shalt  }
0x4c: {  	_ =	shalt  }
0x4d: {  	_ =	shalt  }
0x4e: {  	_ =	shalt  }
0x4f: {  	_ =	shalt  }
0x50: {  	_ =	shalt  }
0x51: {  	_ =	shalt  }
0x52: {  	_ =	shalt  }
0x53: {  	_ =	shalt  }
0x54: {  	_ =	shalt  }
0x55: {  	_ =	shalt  }
0x56: {  	_ =	shalt  }
0x57: {  	_ =	shalt  }
0x58: {  	_ =	shalt  }
0x59: {  	_ =	shalt  }
0x5a: {  	_ =	shalt  }
0x5b: {  	_ =	shalt  }
0x5c: {  	_ =	shalt  }
0x5d: {  	_ =	shalt  }
0x5e: {  	_ =	shalt  }
0x5f: {  	_ =	shalt  }
0x60: {  	_ =	shalt  }
0x61: {  	_ =	shalt  }
0x62: {  	_ =	shalt  }
0x63: {  	_ =	shalt  }
0x64: {  	_ =	shalt  }
0x65: {  	_ =	shalt  }
0x66: {  	_ =	shalt  }
0x67: {  	_ =	shalt  }
0x68: {  	_ =	shalt  }
0x69: {  	_ =	shalt  }
0x6a: {  	_ =	shalt  }
0x6b: {  	_ =	shalt  }
0x6c: {  	_ =	shalt  }
0x6d: {  	_ =	shalt  }
0x6e: {  	_ =	shalt  }
0x6f: {  	_ =	shalt  }
0x70: {  	_ =	shalt  }
0x71: {  	_ =	shalt  }
0x72: {  	_ =	shalt  }
0x73: {  	_ =	shalt  }
0x74: {  	_ =	shalt  }
0x75: {  	_ =	shalt  }
0x76: {  	_ =	shalt  }
0x77: {  	_ =	shalt  }
0x78: {  	_ =	shalt  }
0x79: {  	_ =	shalt  }
0x7a: {  	_ =	shalt  }
0x7b: {  	_ =	shalt  }
0x7c: {  	_ =	shalt  }
0x7d: {  	_ =	shalt  }
0x7e: {  	_ =	shalt  }
0x7f: {  	_ =	shalt  }
0x80: {  	_ =	shalt  }
0x81: {  	_ =	shalt  }
0x82: {  	_ =	shalt  }
0x83: {  	_ =	shalt  }
0x84: {  	_ =	shalt  }
0x85: {  	_ =	shalt  }
0x86: {  	_ =	shalt  }
0x87: {  	_ =	shalt  }
.Lfunc_end0:
.L_simem_size_0:
called_computation.1_lowered:
.L_overlay_start_0:
0x88: {  	s2 =	sld [smem:$0x3FD9]  }
0x89: {  	s3 =	sld [smem:$0x3FFE];
	_ =	sdelay $0x1  }
0x8a: {  	s1 =	srdreg.scid  }
0x8b: {  	s0 =	sand.u32 $0x1, s1  }
0x8c: {  	s17 =	sshll.u32 s0, $0xA;
	s2 =	sadd.s32 s3, s2  }
0x8d: {  	s2 =	sadd.s32 s2, s17  }
0x8e: {  	[smem:$0x3FBE] =	sst s2  }
0x8f: {  	_ = 	snop  }
0x90: {  	s2 =	sld [smem:$0x3FD0];
	(tm) =	ssettm $0x1  }
0x91: {  	s18 =	sld [smem:$0x3FFB];
	_ =	sdelay $0x3  }
0x92: {  	_ =	strace s18  }
0x93: {  	s3 =	sld [smem:$0x3FFC];
	_ =	sdelay $0x3  }
0x94: {  	_ =	strace s3  }
0x95: {  	s3 =	sld [smem:$0x3FFD];
	_ =	sdelay $0x3  }
0x96: {  	_ =	strace s3  }
0x97: {  	_ =	strace $0x8FFFFFFF  }
0x98: {  	s19 =	sld [smem:$0x3FDB];
	_ =	sdelay $0x1  }
0x99: {  	s4 =	simm.s32 $_scs_section_size  }
0x9a: {  	s5 =	simm.s32 $_size__tile_overlayer_lowered;
	s6 =	simm.s32 $_tile_overlayer_lowered  }
0x9b: {  	s22 =	simm.s32 $0x1BFF;
	s21 =	sshll.u32 s6, $0x1;
	s3 =	sadd.s32 s4, s19  }
0x9c: {  	s7 =	simm.s32 $0x0;
	s20 =	sshll.u32 s5, $0x1;
	s5 =	sadd.s32 s21, s3  }
0x9d: {  	[timem:s7], [sflag:s22] =	dma.local [hbm:s5], s20  }
0x9e: {  	_ =	swait.ge [sflag:s22], s20  }
0x9f: {  	s4 =	ssub.s32 $0x0, s20;
	[sflag:s22] =	ssyncset.done $0x0  }
0xa0: {  	[sflag:s22] =	ssyncadd.s32 s4;
	_ =	sdelay $0x1  }
0xa1: {  	s23 =	simm.s32 $0x1B8B  }
0xa2: {  	_ =	swait.ge [sflag:s23], $0x1  }
0xa3: {  	[sflag:s23] =	ssyncset.done $0x0  }
0xa4: {  	s25 =	simm.s32 $0x1B8E;
	s24 =	sld [smem:$0x3FFE];
	[sflag:s23] =	ssyncadd.s32 $0xFFFFFFFF  }
0xa5: {  	s26 =	simm.s32 $execute0_lowered;
	[smem:$0x3FD2] =	sst s25  }
0xa6: {  	s5 =	sshll.u32 s26, $0x1;
	_ =	strace $0x80000046;
	[dreg:$0x1] =	wrdreg $0xFFFFFFFF  }
0xa7: {  	s28 =	simm.s32 $_size_execute0_lowered;
	s3 =	sadd.s32 s3, s5;
	[dreg:$0x0] =	wrdreg $0x0  }
0xa8: {  	s5 =	sshll.u32 s28, $0x1;
	[dreg:$0x2] =	wrdreg s3  }
0xa9: {  	[dreg:$0x3] =	wrdreg s5  }
0xaa: {  	[dreg:$0x4] =	wrdreg $0xC0  }
0xab: {  	_ =	task [dreg:s7], $0x5FFFF  }
0xac: {  	[dreg:$0x1] =	wrdreg $0xFFFFFFFF  }
0xad: {  	[dreg:$0x0] =	wrdreg $0x60  }
0xae: {  	[dreg:$0x2] =	wrdreg s2  }
0xaf: {  	[dreg:$0x3] =	wrdreg s24  }
0xb0: {  	[dreg:$0x4] =	wrdreg $0xA  }
0xb1: {  	_ =	task.clear_ibuf [dreg:s7], $0x5FFFF;
	_ =	strace $0x90000046  }
0xb2: {  	s29 =	simm.s32 $0xA;
	_ =	strace $0x80000048  }
0xb3: {  	_ =	swait.ge [sflag:s29], $0x1  }
0xb4: {  	[sflag:s29] =	ssyncadd.s32 $0xFFFFFFFF  }
0xb5: {  	_ =	strace $0x90000048  }
0xb6: {  	_ =	sfence  }
0xb7: {  	s30 =	sld [smem:$0x0];
	_ =	sdelay $0x2  }
0xb8: {  	s31 =	sshll.u32 s1, $0xD;
	s1 =	sshrl.u32 s1, $0x2  }
0xb9: {  	s3 =	sand.u32 $0x4000, s31;
	s1 =	sadd.s32 s1, s30  }
0xba: {  	s0 =	sor.u32 s3, s0;
	s1 =	sshll.u32 s1, $0x11  }
0xbb: {  	s0 =	sor.u32 s1, s0  }
0xbc: {  	s0 =	sadd.s32 $0x8F2B, s0  }
0xbd: {  	[sflag:s0] =	ssyncadd.remote.s32 $0x1  }
0xbe: {  	_ =	sfence.sel $0xFFFF  }
0xbf: {  	[dreg:$0x0] =	wrdreg $0xFFFFFFFF;
	(pc) =	sbr.abs _section_cstart, $3  }
0xc0: {  	[dreg:$0x1] =	wrdreg $0xFFFFFFFF  }
0xc1: {  	_ =	task.clear_ibuf [dreg:s7], $0x2FFFF;
	_ =	strace $0x9FFFFFFF  }
0xc2: {  	(tm) =	ssettm $0x7FFFFFFF  }
0xc3: {  	_ =	shalt  }
tec
execute0_lowered:
.L_overlay_start_1:
0x0: {  	(tag) =	ssettag $0x1  }
0x1: {  	s2 =	rddreg [dreg:$0x0]  }
0x2: {  	s5 =	rddreg [dreg:$0x1]  }
0x3: {  	s0 =	rddreg [dreg:$0x2];
	s4 =	srdreg.scid  }
0x4: {  	s1 =	stileid.u32;
	s3 =	simm.s32 $0x0;
	s18 =	simm.s32 $0x100  }
0x5: {  	s19 =	simm.s32 $0x6600;
	s20 =	simm.s32 $0x1;
	s21 =	simm.s32 $0x3  }
0x6: {  	s10 =	sand.u32 $0x1, s4;
	s22 =	sshll.u32 s1, $0x1;
	s26 =	smul.u32 $0x1A900, s1  }
0x7: {  	[smem:$0x7FF] =	sst s3;
	s4 =	sadd.s32 $0x4600, s5;
	s15 =	smul.u32 $0x1A90, s1  }
0x8: {  	s11 =	sadd.s32 $0x8400, s5;
	s6 =	sor.u32 s10, s22;
	s16 =	smul.u32 $0xD48, s10  }
0x9: {  	_ =	strace $0x80000047;
	s7 =	ssub.s32 $0x2, s10;
	s17 =	smul.u32 $0xD480, s10  }
0xa: {  	s22 =	simm.s32 $0x2;
	s8 =	smul.u32 $0xD48, s6;
	s23 =	sshrl.u32 s7, $0x1  }
0xb: {  	s13 =	smul.u32 $0x6A400, s6;
	s14 =	ssub.s32 s7, s23;
	s15 =	sadd.s32 s16, s15  }
0xc: {  	s16 =	simm.s32 $0xC8;
	s23 =	simm.s32 $0x4;
	s9 =	sshrl.u32 s8, $0x3  }
0xd: {  	s12 =	sadd.s32 $0xC8, s8;
	s25 =	sshrl.u32 s13, $0x3;
	s29 =	sadd.s32 $0xC80, s8  }
0xe: {  	s31 =	sadd.s32 $0x258, s15;
	s5 =	sadd.s32 s4, s9;
	s24 =	sshrl.u32 s12, $0x3  }
0xf: {  	s28 =	sadd.s32 s11, s25;
	s8 =	sshrl.u32 s29, $0x3;
	s30 =	sshll.u32 s29, $0x4  }
0x10: {  	s12 =	sadd.s32 s26, s11;
	s13 =	sshrl.u32 s31, $0x3;
	s6 =	sadd.s32 s4, s24  }
0x11: {  	s7 =	sadd.s32 $0xAF00, s28;
	s8 =	sadd.s32 s4, s8;
	s9 =	sadd.s32 $0xBB80, s28  }
0x12: {  	s10 =	sadd.s32 s11, s30;
	s12 =	sadd.s32 s17, s12;
	s11 =	smax.u32 s14, $0x1  }
0x13: {  	s13 =	sadd.s32 s13, s4;
	s14 =	sadd.s32 $0x190, s15;
	s15 =	simm.s32 $0x5  }
0x14: {  	s17 =	simm.s32 $0x200;
	s24 =	simm.s32 $0x0;
	s12 =	sadd.s32 $0xC80, s12  }
.LBB2_1:
0x15: {  	[tilespmem:s3], [sflag:$0x5] =	stream.linear.gather [hbm4b:s5+s3], $0xC8, $0x38;
	[tilespmem:$0xCA00] =	vst v63  }
0x16: {  	_ =	swait.ge [sflag:s15], $0xC8  }
0x17: {  	[sflag:s15] =	ssyncset.done $0x0  }
0x18: {  	[sflag:s15] =	ssyncadd.s32 $0xFFFFFF38  }
0x19: {  	[tilespmem:s17], [sflag:$0x1] =	stream.indirect.gather [hbm4b:s2+s16], $0x80, s3, s16, $0xb8;
	[tilespmem:$0xCA00] =	vst v63  }
0x1a: {  	_ = 	snop  }
0x1b: {  	[tilespmem:s18], [sflag:$0x5] =	stream.linear.gather [hbm4b:s6+s3], $0xC8, $0x38;
	[tilespmem:$0xCA00] =	vst v63  }
0x1c: {  	_ =	swait.ge [sflag:s15], $0xC8  }
0x1d: {  	[sflag:s15] =	ssyncset.done $0x0  }
0x1e: {  	[sflag:s15] =	ssyncadd.s32 $0xFFFFFF38  }
0x1f: {  	[tilespmem:s19], [sflag:$0x2] =	stream.indirect.gather [hbm4b:s2+s16], $0x80, s18, s16, $0xb8;
	[tilespmem:$0xCA00] =	vst v63  }
0x20: {  	_ =	swait.ge [sflag:s20], $0x6400  }
0x21: {  	[sflag:s20] =	ssyncset.done $0x0  }
0x22: {  	s25 =	sadd.s32 $0xFFFFF380, s12;
	s26 =	sshrl.u32 s14, $0x3;
	[sflag:s20] =	ssyncadd.s32 $0xFFFF9C00  }
0x23: {  	[hbm4b:s25+s3] =	stream.linear.scatter [tilespmem:s17], [sflag:$0x3], $0x6400, $0x38;
	[tilespmem:$0xCA00] =	vst v63  }
0x24: {  	s30 =	sadd.s32 s4, s26  }
0x25: {  	[tilespmem:s3], [sflag:$0x5] =	stream.linear.gather [hbm4b:s30+s3], $0xC8, $0x38;
	[tilespmem:$0xCA00] =	vst v63  }
0x26: {  	_ =	swait.ge [sflag:s15], $0xC8  }
0x27: {  	[sflag:s15] =	ssyncset.done $0x0  }
0x28: {  	[sflag:s15] =	ssyncadd.s32 $0xFFFFFF38  }
0x29: {  	_ =	swait.ge [sflag:s21], $0x6400  }
0x2a: {  	[sflag:s21] =	ssyncset.done $0x0  }
0x2b: {  	[sflag:s21] =	ssyncadd.s32 $0xFFFF9C00  }
0x2c: {  	[tilespmem:s17], [sflag:$0x1] =	stream.indirect.gather [hbm4b:s2+s16], $0x80, s3, s16, $0xb8;
	[tilespmem:$0xCA00] =	vst v63  }
0x2d: {  	_ =	swait.ge [sflag:s22], $0x6400  }
0x2e: {  	[sflag:s22] =	ssyncset.done $0x0  }
0x2f: {  	[sflag:s22] =	ssyncadd.s32 $0xFFFF9C00  }
0x30: {  	[hbm4b:s12+s3] =	stream.linear.scatter [tilespmem:s19], [sflag:$0x4], $0x6400, $0x38;
	[tilespmem:$0xCA00] =	vst v63  }
0x31: {  	s31 =	sadd.s32 $0x0, s13  }
0x32: {  	[tilespmem:s18], [sflag:$0x5] =	stream.linear.gather [hbm4b:s31+s3], $0xC8, $0x38;
	[tilespmem:$0xCA00] =	vst v63  }
0x33: {  	_ =	swait.ge [sflag:s15], $0xC8  }
0x34: {  	[sflag:s15] =	ssyncset.done $0x0  }
0x35: {  	[sflag:s15] =	ssyncadd.s32 $0xFFFFFF38  }
0x36: {  	_ =	swait.ge [sflag:s23], $0x6400  }
0x37: {  	s28 =	sadd.s32 $0x190, s14;
	[sflag:s23] =	ssyncset.done $0x0  }
0x38: {  	s26 =	sadd.s32 $0x1900, s12;
	s25 =	simm.s32 $0x32;
	[sflag:s23] =	ssyncadd.s32 $0xFFFF9C00  }
.LBB2_2:
0x39: {  	[tilespmem:s19], [sflag:$0x2] =	stream.indirect.gather [hbm4b:s2+s16], $0x80, s18, s16, $0xb8;
	[tilespmem:$0xCA00] =	vst v63  }
0x3a: {  	s29 =	smov.u32 s25  }
0x3b: {  	p0 =	sne.s32 s25, $0x12C;
	s25 =	sadd.s32 $0x32, s25;
	_ =	swait.ge [sflag:s20], $0x6400  }
0x3c: {  	[sflag:s20] =	ssyncset.done $0x0  }
0x3d: {  	s30 =	sadd.s32 $0xFFFFF380, s26;
	s31 =	sshrl.u32 s28, $0x3;
	[sflag:s20] =	ssyncadd.s32 $0xFFFF9C00  }
0x3e: {  	[hbm4b:s30+s3] =	stream.linear.scatter [tilespmem:s17], [sflag:$0x3], $0x6400, $0x38;
	[tilespmem:$0xCA00] =	vst v63  }
0x3f: {  	s30 =	sadd.s32 s4, s31  }
0x40: {  	[tilespmem:s3], [sflag:$0x5] =	stream.linear.gather [hbm4b:s30+s3], $0xC8, $0x38;
	[tilespmem:$0xCA00] =	vst v63  }
0x41: {  	_ =	swait.ge [sflag:s15], $0xC8  }
0x42: {  	[sflag:s15] =	ssyncset.done $0x0  }
0x43: {  	[sflag:s15] =	ssyncadd.s32 $0xFFFFFF38  }
0x44: {  	_ =	swait.ge [sflag:s21], $0x6400  }
0x45: {  	[sflag:s21] =	ssyncset.done $0x0  }
0x46: {  	[sflag:s21] =	ssyncadd.s32 $0xFFFF9C00  }
0x47: {  	[tilespmem:s17], [sflag:$0x1] =	stream.indirect.gather [hbm4b:s2+s16], $0x80, s3, s16, $0xb8;
	[tilespmem:$0xCA00] =	vst v63  }
0x48: {  	_ =	swait.ge [sflag:s22], $0x6400  }
0x49: {  	[sflag:s22] =	ssyncset.done $0x0  }
0x4a: {  	[sflag:s22] =	ssyncadd.s32 $0xFFFF9C00  }
0x4b: {  	[hbm4b:s26+s3] =	stream.linear.scatter [tilespmem:s19], [sflag:$0x4], $0x6400, $0x38;
	[tilespmem:$0xCA00] =	vst v63  }
0x4c: {  	s29 =	sadd.s32 s29, s13  }
0x4d: {  	[tilespmem:s18], [sflag:$0x5] =	stream.linear.gather [hbm4b:s29+s3], $0xC8, $0x38;
	[tilespmem:$0xCA00] =	vst v63  }
0x4e: {  	_ =	swait.ge [sflag:s15], $0xC8  }
.Ltmp0:
0x4f: {  	[sflag:s15] =	ssyncset.done $0x0;
	(pc) =	sbr.rel @p0 .LBB2_2-.Ltmp0, $4  }
0x50: {  	[sflag:s15] =	ssyncadd.s32 $0xFFFFFF38  }
0x51: {  	_ =	swait.ge [sflag:s23], $0x6400  }
0x52: {  	[sflag:s23] =	ssyncset.done $0x0  }
0x53: {  	s28 =	sadd.s32 $0x190, s28;
	s26 =	sadd.s32 $0x1900, s26;
	[sflag:s23] =	ssyncadd.s32 $0xFFFF9C00  }
0x54: {  	[tilespmem:s19], [sflag:$0x2] =	stream.indirect.gather [hbm4b:s2+s16], $0x80, s18, s16, $0xb8;
	[tilespmem:$0xCA00] =	vst v63  }
0x55: {  	_ =	swait.ge [sflag:s20], $0x6400  }
0x56: {  	[sflag:s20] =	ssyncset.done $0x0  }
0x57: {  	[sflag:s20] =	ssyncadd.s32 $0xFFFF9C00  }
0x58: {  	[hbm4b:s7+s3] =	stream.linear.scatter [tilespmem:s17], [sflag:$0x5], $0x6400, $0x38;
	[tilespmem:$0xCA00] =	vst v63  }
0x59: {  	_ =	swait.ge [sflag:s15], $0x6400  }
0x5a: {  	[sflag:s15] =	ssyncset.done $0x0  }
0x5b: {  	[sflag:s15] =	ssyncadd.s32 $0xFFFF9C00  }
0x5c: {  	[tilespmem:s3], [sflag:$0x5] =	stream.linear.gather [hbm4b:s8+s3], $0xC8, $0x38;
	[tilespmem:$0xCA00] =	vst v63  }
0x5d: {  	_ =	swait.ge [sflag:s15], $0xC8  }
0x5e: {  	[sflag:s15] =	ssyncset.done $0x0  }
0x5f: {  	[sflag:s15] =	ssyncadd.s32 $0xFFFFFF38  }
0x60: {  	[tilespmem:s17], [sflag:$0x1] =	stream.indirect.gather [hbm4b:s2+s16], $0x80, s3, s16, $0xb8;
	[tilespmem:$0xCA00] =	vst v63  }
0x61: {  	_ =	swait.ge [sflag:s22], $0x6400  }
0x62: {  	[sflag:s22] =	ssyncset.done $0x0  }
0x63: {  	[sflag:s22] =	ssyncadd.s32 $0xFFFF9C00  }
0x64: {  	[hbm4b:s9+s3] =	stream.linear.scatter [tilespmem:s19], [sflag:$0x5], $0x6400, $0x38;
	[tilespmem:$0xCA00] =	vst v63  }
0x65: {  	_ =	swait.ge [sflag:s15], $0x6400  }
0x66: {  	[sflag:s15] =	ssyncset.done $0x0  }
0x67: {  	[sflag:s15] =	ssyncadd.s32 $0xFFFF9C00  }
0x68: {  	s24 =	sadd.s32 $0x1, s24;
	_ =	swait.ge [sflag:s20], $0x6400  }
0x69: {  	p0 =	sne.s32 s24, s11;
	[sflag:s20] =	ssyncset.done $0x0  }
.Ltmp1:
0x6a: {  	[sflag:s20] =	ssyncadd.s32 $0xFFFF9C00;
	(pc) =	sbr.rel @p0 .LBB2_1-.Ltmp1, $4  }
0x6b: {  	[hbm4b:s10+s3] =	stream.linear.scatter [tilespmem:s17], [sflag:$0x5], $0x6400, $0x38;
	[tilespmem:$0xCA00] =	vst v63  }
0x6c: {  	_ =	swait.ge [sflag:s15], $0x6400  }
0x6d: {  	[sflag:s15] =	ssyncset.done $0x0  }
0x6e: {  	[sflag:s15] =	ssyncadd.s32 $0xFFFF9C00  }
0x6f: {  	_ =	sfence.sel $0x180000  }
0x70: {  	[bflag:$0x0] =	sbarrier.arrive $0xFFFF  }
0x71: {  	p0 =	sne.s32 s1, $0x0;
	_ =	strace $0x90000047  }
0x72: {  	s0 =	sadd.s32 @!p0 $0x100000, s0;
	[bflag:$0x2] =	sbarrier.arrive $0xFFFF  }
0x73: {  	[sflag:s0] =	ssyncadd.tile.s32 @!p0 $0x1;
	_ =	shalt  }
.Lfunc_end2:
_tile_overlayer_lowered:
.L_overlay_start_2:
0x74: {  	(tag) =	ssettag $0x2  }
0x75: {  	s0 =	rddreg [dreg:$0x0];
	s2 =	stileid.u32  }
0x76: {  	s1 =	rddreg [dreg:$0x1];
	p0 =	sne.s32 s2, $0x0  }
0x77: {  	s3 =	rddreg [dreg:$0x2];
	[bflag:$0x3] =	sbarrier.arrive $0xFFFF;
	s2 =	simm.s32 @!p0 $0x1C05  }
0x78: {  	[timem:s3], [sflag:s2] =	dma.local @!p0 [hbm:s0], s1  }
0x79: {  	s0 =	simm.s32 @!p0 $0x5  }
0x7a: {  	_ =	swait.ge @!p0 [sflag:s0], s1  }
0x7b: {  	s1 =	ssub.s32 @!p0 $0x0, s1;
	[sflag:s0] =	ssyncset.done @!p0 $0x0  }
0x7c: {  	[sflag:s0] =	ssyncadd.s32 @!p0 s1  }
0x7d: {  	[bflag:$0x3] =	sbarrier.arrive $0xFFFF  }
0x7e: {  	_ =	shalt  }

// kernel: kernel.15.cloned.1.call-start
scs
__scs_entry_jumppad:
0x0: {  	(pc) =	sbr.rel $0x88, $3  }
0x1: {  	(tag) =	ssettag $0x0;
	lr =	simm.s32 $0x1  }
0x2: {  	[smem:$0x3F97] =	sst lr;
	_ =	strace $0xD0000000  }
0x3: {  	_ = 	snop  }
0x4: {  	_ = 	snop  }
0x5: {  	_ = 	snop  }
0x6: {  	_ = 	snop  }
0x7: {  	_ = 	snop  }
__scs_overlays_trampoline_lowered:
0x8: {  	[smem:$0x3FA6] =	sst s0  }
0x9: {  	[smem:$0x3FA7] =	sst s1  }
0xa: {  	[smem:$0x3FA8] =	sst s2  }
0xb: {  	[smem:$0x3FA9] =	sst s3  }
0xc: {  	[smem:$0x3FAA] =	sst s4  }
0xd: {  	[smem:$0x3FAB] =	sst s5  }
0xe: {  	[smem:$0x3FAC] =	sst s6  }
0xf: {  	[smem:$0x3FAD] =	sst s7  }
0x10: {  	[smem:$0x3FAE] =	sst s8  }
0x11: {  	[smem:$0x3FAF] =	sst s9;
	s0 =	simm.s32 @!p0 $0x0  }
0x12: {  	s1 =	sld [smem:$0x3F95];
	s0 =	simm.s32 @p0 $0x1  }
0x13: {  	[smem:$0x3FB0] =	sst s0;
	s0 =	simm.s32 @!p1 $0x0  }
0x14: {  	s2 =	sld [smem:$0x3F94];
	s0 =	simm.s32 @p1 $0x1  }
0x15: {  	[smem:$0x3FB1] =	sst s0;
	s0 =	simm.s32 @!p2 $0x0  }
0x16: {  	s3 =	sld [smem:$0x3FDB];
	s0 =	simm.s32 @p2 $0x1  }
0x17: {  	s4 =	simm.s32 $0x1BF5;
	[smem:$0x3FB3] =	sst s0  }
0x18: {  	s0 =	sld [smem:$0x3F96];
	_ =	swait.ge [sflag:s4], $0x0  }
0x19: {  	s7 =	sld [smem:$0x3F97]  }
0x1a: {  	s8 =	sadd.s32 $0xFFFFE003, lr  }
0x1b: {  	s9 =	sadd.s32 $0xFFFFFEF7, lr;
	s5 =	simm.s32 $0xFFFFFFFF;
	p2 =	slt.u32 s8, $0xFFFFF086  }
0x1c: {  	p1 =	slt.u32 s9, $0xF7A;
	s5 =	simm.s32 @!p2 $0x0  }
0x1d: {  	s5 =	simm.s32 @p1 $0x1;
	p0 =	seq.s32 s7, s2  }
0x1e: {  	s7 =	smul.u32 @!p0 $0xF7A, s2;
	p2 =	seq.s32 @!p0 s5, $0x0  }
0x1f: {  	s9 =	smul.u32 $0xF7A, s1;
	s8 =	simm.s32 @!p0 $0x1BF5;
	p2 =	por !p2, p0  }
0x20: {  	[sflag:s8] =	ssyncset.s32 @!p0 $0xFFFFF086;
	s6 =	sadd.s32 @!p0 s3, s7;
	s7 =	simm.s32 @!p0 $0x108  }
0x21: {  	s3 =	sadd.s32 s3, s9;
	s6 =	sadd.s32 @!p0 $0x88, s6;
	s7 =	simm.s32 @p2 $0x1082  }
0x22: {  	[simem:s7], [sflag:s8] =	dma.local @!p0 [hbm:s6], $0xF7A  }
0x23: {  	s9 =	sor.u32 $0xD0000000, s2;
	s6 =	simm.s32 $0x108;
	_ =	swait.ge @!p0 [sflag:s8], $0x0  }
0x24: {  	s3 =	sadd.s32 $0x88, s3;
	s6 =	simm.s32 @!p1 $0x1082;
	[sflag:s4] =	ssyncset.s32 $0xFFFFF086  }
0x25: {  	[simem:s6], [sflag:s4] =	dma.local [hbm:s3], $0xF7A  }
0x26: {  	[smem:$0x3F97] =	sst s1;
	(tag) =	ssettag s2;
	_ =	strace s9  }
0x27: {  	s1 =	sld [smem:$0x3FA7]  }
0x28: {  	s2 =	sld [smem:$0x3FA8]  }
0x29: {  	s4 =	sld [smem:$0x3FAA]  }
0x2a: {  	p0 =	seq.s32 s5, $0x0;
	s5 =	sld [smem:$0x3FAB]  }
0x2b: {  	s6 =	sld [smem:$0x3FAC]  }
0x2c: {  	s7 =	sld [smem:$0x3FAD]  }
0x2d: {  	s3 =	simm.s32 $0x108;
	s8 =	sld [smem:$0x3FAE]  }
0x2e: {  	s3 =	simm.s32 @!p0 $0x1082;
	s9 =	sld [smem:$0x3FAF]  }
0x2f: {  	lr =	sadd.s32 s0, s3;
	s0 =	sld [smem:$0x3FA6]  }
0x30: {  	s3 =	sld [smem:$0x3FA9]  }
0x31: {  	[smem:$0x3FB2] =	sst s10  }
0x32: {  	s10 =	sld [smem:$0x3FB0];
	_ =	sdelay $0x3  }
0x33: {  	p0 =	seq.s32 s10, $0x1;
	s10 =	sld [smem:$0x3FB2];
	_ =	sdelay $0x3  }
0x34: {  	[smem:$0x3FB2] =	sst s10  }
0x35: {  	s10 =	sld [smem:$0x3FB1];
	_ =	sdelay $0x3  }
0x36: {  	p1 =	seq.s32 s10, $0x1;
	s10 =	sld [smem:$0x3FB2];
	_ =	sdelay $0x3  }
0x37: {  	[smem:$0x3FB2] =	sst s10  }
0x38: {  	s10 =	sld [smem:$0x3FB3]  }
0x39: {  	_ = 	snop;
	(pc) =	sbr.ind lr, $3  }
0x3a: {  	_ = 	snop  }
0x3b: {  	_ = 	snop  }
0x3c: {  	p2 =	seq.s32 s10, $0x1;
	s10 =	sld [smem:$0x3FB2]  }
0x3d: {  	_ =	shalt  }
0x3e: {  	_ =	shalt  }
0x3f: {  	_ =	shalt  }
0x40: {  	_ =	shalt  }
0x41: {  	_ =	shalt  }
0x42: {  	_ =	shalt  }
0x43: {  	_ =	shalt  }
0x44: {  	_ =	shalt  }
0x45: {  	_ =	shalt  }
0x46: {  	_ =	shalt  }
0x47: {  	_ =	shalt  }
0x48: {  	_ =	shalt  }
0x49: {  	_ =	shalt  }
0x4a: {  	_ =	shalt  }
0x4b: {  	_ =	shalt  }
0x4c: {  	_ =	shalt  }
0x4d: {  	_ =	shalt  }
0x4e: {  	_ =	shalt  }
0x4f: {  	_ =	shalt  }
0x50: {  	_ =	shalt  }
0x51: {  	_ =	shalt  }
0x52: {  	_ =	shalt  }
0x53: {  	_ =	shalt  }
0x54: {  	_ =	shalt  }
0x55: {  	_ =	shalt  }
0x56: {  	_ =	shalt  }
0x57: {  	_ =	shalt  }
0x58: {  	_ =	shalt  }
0x59: {  	_ =	shalt  }
0x5a: {  	_ =	shalt  }
0x5b: {  	_ =	shalt  }
0x5c: {  	_ =	shalt  }
0x5d: {  	_ =	shalt  }
0x5e: {  	_ =	shalt  }
0x5f: {  	_ =	shalt  }
0x60: {  	_ =	shalt  }
0x61: {  	_ =	shalt  }
0x62: {  	_ =	shalt  }
0x63: {  	_ =	shalt  }
0x64: {  	_ =	shalt  }
0x65: {  	_ =	shalt  }
0x66: {  	_ =	shalt  }
0x67: {  	_ =	shalt  }
0x68: {  	_ =	shalt  }
0x69: {  	_ =	shalt  }
0x6a: {  	_ =	shalt  }
0x6b: {  	_ =	shalt  }
0x6c: {  	_ =	shalt  }
0x6d: {  	_ =	shalt  }
0x6e: {  	_ =	shalt  }
0x6f: {  	_ =	shalt  }
0x70: {  	_ =	shalt  }
0x71: {  	_ =	shalt  }
0x72: {  	_ =	shalt  }
0x73: {  	_ =	shalt  }
0x74: {  	_ =	shalt  }
0x75: {  	_ =	shalt  }
0x76: {  	_ =	shalt  }
0x77: {  	_ =	shalt  }
0x78: {  	_ =	shalt  }
0x79: {  	_ =	shalt  }
0x7a: {  	_ =	shalt  }
0x7b: {  	_ =	shalt  }
0x7c: {  	_ =	shalt  }
0x7d: {  	_ =	shalt  }
0x7e: {  	_ =	shalt  }
0x7f: {  	_ =	shalt  }
0x80: {  	_ =	shalt  }
0x81: {  	_ =	shalt  }
0x82: {  	_ =	shalt  }
0x83: {  	_ =	shalt  }
0x84: {  	_ =	shalt  }
0x85: {  	_ =	shalt  }
0x86: {  	_ =	shalt  }
0x87: {  	_ =	shalt  }
.Lfunc_end0:
.L_simem_size_0:
called_computation.2_lowered:
.L_overlay_start_0:
0x88: {  	s2 =	sld [smem:$0x3FD9]  }
0x89: {  	s3 =	sld [smem:$0x3FFE];
	_ =	sdelay $0x1  }
0x8a: {  	s1 =	srdreg.scid  }
0x8b: {  	s0 =	sand.u32 $0x1, s1  }
0x8c: {  	s17 =	sshll.u32 s0, $0xA;
	s2 =	sadd.s32 s3, s2  }
0x8d: {  	s2 =	sadd.s32 s2, s17  }
0x8e: {  	[smem:$0x3FBE] =	sst s2  }
0x8f: {  	_ = 	snop  }
0x90: {  	s18 =	sld [smem:$0x3FD0];
	(tm) =	ssettm $0x1  }
0x91: {  	s19 =	sld [smem:$0x3FFB];
	_ =	sdelay $0x3  }
0x92: {  	_ =	strace s19  }
0x93: {  	s2 =	sld [smem:$0x3FFC];
	_ =	sdelay $0x3  }
0x94: {  	_ =	strace s2  }
0x95: {  	s2 =	sld [smem:$0x3FFD];
	_ =	sdelay $0x3  }
0x96: {  	_ =	strace s2  }
0x97: {  	_ =	strace $0x8FFFFFFF  }
0x98: {  	s20 =	sld [smem:$0x3FDB];
	_ =	sdelay $0x1  }
0x99: {  	s4 =	simm.s32 $_scs_section_size  }
0x9a: {  	s5 =	simm.s32 $_size__tile_overlayer_lowered;
	s6 =	simm.s32 $_tile_overlayer_lowered  }
0x9b: {  	s7 =	simm.s32 $0x1BFF;
	s21 =	sshll.u32 s6, $0x1;
	s4 =	sadd.s32 s4, s20  }
0x9c: {  	s22 =	simm.s32 $0x0;
	s5 =	sshll.u32 s5, $0x1;
	s6 =	sadd.s32 s21, s4  }
0x9d: {  	[timem:s22], [sflag:s7] =	dma.local [hbm:s6], s5  }
0x9e: {  	_ =	swait.ge [sflag:s7], s5  }
0x9f: {  	s5 =	ssub.s32 $0x0, s5;
	[sflag:s7] =	ssyncset.done $0x0  }
0xa0: {  	[sflag:s7] =	ssyncadd.s32 s5;
	_ =	sdelay $0x1  }
0xa1: {  	s23 =	simm.s32 $0x1B8B  }
0xa2: {  	_ =	swait.ge [sflag:s23], $0x1  }
0xa3: {  	[sflag:s23] =	ssyncset.done $0x0  }
0xa4: {  	[sflag:s23] =	ssyncadd.s32 $0xFFFFFFFF  }
0xa5: {  	s5 =	sld [smem:$0x0]  }
0xa6: {  	s6 =	sand.u32 $0xFFFFFFFE, s1  }
0xa7: {  	p0 =	sne.s32 s1, s6  }
0xa8: {  	s6 =	sshll.u32 @p0 s6, $0xE  }
0xa9: {  	s6 =	sadd.s32 @p0 $0x11B8D, s6;
	s7 =	sshll.u32 @p0 s5, $0x11  }
0xaa: {  	s6 =	sor.u32 @p0 s7, s6  }
0xab: {  	[sflag:s6] =	ssyncadd.remote.s32 @p0 $0x1;
	_ =	sdelay $0x1  }
0xac: {  	s6 =	simm.s32 @p0 $0x1B8D  }
0xad: {  	_ =	swait.eq @p0 [sflag:s6], $0x1  }
0xae: {  	[sflag:s6] =	ssyncadd.s32 @p0 $0xFFFFFFFF  }
0xaf: {  	s7 =	sshll.u32 @!p0 s1, $0xE  }
0xb0: {  	s7 =	sor.u32 @!p0 $0x4000, s7;
	s6 =	simm.s32 @!p0 $0x1B8D  }
0xb1: {  	s5 =	sshll.u32 @!p0 s5, $0x11;
	s7 =	sadd.s32 @!p0 $0x11B8D, s7;
	_ =	swait.eq @!p0 [sflag:s6], $0x1  }
0xb2: {  	s5 =	sor.u32 @!p0 s5, s7;
	[sflag:s6] =	ssyncadd.s32 @!p0 $0xFFFFFFFF  }
0xb3: {  	s25 =	simm.s32 $0x1B8E;
	s24 =	sld [smem:$0x3FFE];
	[sflag:s5] =	ssyncadd.remote.s32 @!p0 $0x1  }
0xb4: {  	s26 =	simm.s32 $execute0_lowered;
	[smem:$0x3FD2] =	sst s25  }
0xb5: {  	s6 =	sshll.u32 s26, $0x1;
	_ =	strace $0x80000049;
	[dreg:$0x1] =	wrdreg $0xFFFFFFFF  }
0xb6: {  	s28 =	simm.s32 $_size_execute0_lowered;
	s4 =	sadd.s32 s4, s6;
	[dreg:$0x0] =	wrdreg $0x0  }
0xb7: {  	s6 =	sshll.u32 s28, $0x1;
	[dreg:$0x2] =	wrdreg s4  }
0xb8: {  	[dreg:$0x3] =	wrdreg s6  }
0xb9: {  	[dreg:$0x4] =	wrdreg $0xC0  }
0xba: {  	_ =	task [dreg:s22], $0x5FFFF  }
0xbb: {  	[dreg:$0x1] =	wrdreg $0xFFFFFFFF  }
0xbc: {  	[dreg:$0x0] =	wrdreg $0x60  }
0xbd: {  	[dreg:$0x2] =	wrdreg s18  }
0xbe: {  	[dreg:$0x3] =	wrdreg s24  }
0xbf: {  	[dreg:$0x4] =	wrdreg $0xB  }
0xc0: {  	_ =	task.clear_ibuf [dreg:s22], $0x5FFFF;
	_ =	strace $0x90000049  }
0xc1: {  	s29 =	simm.s32 $0xB;
	_ =	strace $0x8000004B  }
0xc2: {  	_ =	swait.ge [sflag:s29], $0x1  }
0xc3: {  	[sflag:s29] =	ssyncadd.s32 $0xFFFFFFFF  }
0xc4: {  	_ =	strace $0x9000004B  }
0xc5: {  	_ =	sfence  }
0xc6: {  	s30 =	sld [smem:$0x0];
	_ =	sdelay $0x2  }
0xc7: {  	s31 =	sshll.u32 s1, $0xD;
	s1 =	sshrl.u32 s1, $0x2  }
0xc8: {  	s4 =	sand.u32 $0x4000, s31;
	s1 =	sadd.s32 s1, s30  }
0xc9: {  	s0 =	sor.u32 s4, s0;
	s1 =	sshll.u32 s1, $0x11  }
0xca: {  	s0 =	sor.u32 s1, s0  }
0xcb: {  	s0 =	sadd.s32 $0x8F2B, s0  }
0xcc: {  	[sflag:s0] =	ssyncadd.remote.s32 $0x1  }
0xcd: {  	_ =	sfence.sel $0xFFFF  }
0xce: {  	[dreg:$0x0] =	wrdreg $0xFFFFFFFF;
	(pc) =	sbr.abs _section_cstart, $3  }
0xcf: {  	[dreg:$0x1] =	wrdreg $0xFFFFFFFF  }
0xd0: {  	_ =	task.clear_ibuf [dreg:s22], $0x2FFFF;
	_ =	strace $0x9FFFFFFF  }
0xd1: {  	(tm) =	ssettm $0x7FFFFFFF  }
tec
execute0_lowered:
.L_overlay_start_1:
0x0: {  	(tag) =	ssettag $0x1  }
0x1: {  	s1 =	rddreg [dreg:$0x0]  }
0x2: {  	s5 =	rddreg [dreg:$0x1]  }
0x3: {  	s0 =	rddreg [dreg:$0x2];
	s3 =	simm.s32 $0x0;
	s4 =	srdreg.scid  }
0x4: {  	s2 =	stileid.u32;
	s15 =	simm.s32 $0x200;
	s16 =	simm.s32 $0x100  }
0x5: {  	s17 =	simm.s32 $0x6600;
	s18 =	simm.s32 $0x1;
	s19 =	simm.s32 $0x3  }
0x6: {  	s20 =	simm.s32 $0x2;
	s21 =	simm.s32 $0x4;
	s26 =	smul.u32 $0x19000, s2  }
0x7: {  	s22 =	simm.s32 $0x0;
	s7 =	sand.u32 $0x1, s4;
	s12 =	smul.u32 $0x1900, s2  }
0x8: {  	[smem:$0x7FF] =	sst s3;
	s23 =	sshll.u32 s2, $0x1;
	s14 =	smul.u32 $0xC80, s7  }
0x9: {  	s4 =	sadd.s32 $0x1B1400, s5;
	s6 =	sor.u32 s7, s23;
	s29 =	smul.u32 $0xC800, s7  }
0xa: {  	s10 =	sadd.s32 $0x1B4600, s5;
	s8 =	ssub.s32 $0x2, s7;
	s9 =	smul.u32 $0xC80, s6  }
0xb: {  	_ =	strace $0x8000004A;
	s24 =	sshrl.u32 s8, $0x1;
	s6 =	smul.u32 $0x64000, s6  }
0xc: {  	s11 =	ssub.s32 s8, s24;
	s12 =	sadd.s32 s14, s12;
	s14 =	simm.s32 $0xC8  }
0xd: {  	s25 =	sshrl.u32 s9, $0x3;
	s9 =	sadd.s32 $0xC8, s9;
	s13 =	sshrl.u32 s6, $0x3  }
0xe: {  	s30 =	sadd.s32 $0x258, s12;
	s12 =	sadd.s32 $0x190, s12;
	s5 =	sadd.s32 s4, s25  }
0xf: {  	s9 =	sshrl.u32 s9, $0x3;
	s28 =	sadd.s32 s10, s13;
	s10 =	sadd.s32 s26, s10  }
0x10: {  	s31 =	sshrl.u32 s30, $0x3;
	s13 =	simm.s32 $0x5;
	s6 =	sadd.s32 s4, s9  }
0x11: {  	s7 =	sadd.s32 $0xAF00, s28;
	s8 =	sadd.s32 $0xBB80, s28;
	s10 =	sadd.s32 s29, s10  }
0x12: {  	s9 =	smax.u32 s11, $0x1;
	s11 =	sadd.s32 s31, s4;
	s10 =	sadd.s32 $0xC80, s10  }
.LBB2_1:
0x13: {  	[tilespmem:s3], [sflag:$0x5] =	stream.linear.gather [hbm4b:s5+s3], $0xC8, $0x38;
	[tilespmem:$0xCA00] =	vst v63  }
0x14: {  	_ =	swait.ge [sflag:s13], $0xC8  }
0x15: {  	[sflag:s13] =	ssyncset.done $0x0  }
0x16: {  	[sflag:s13] =	ssyncadd.s32 $0xFFFFFF38  }
0x17: {  	[tilespmem:s15], [sflag:$0x1] =	stream.indirect.gather [hbm4b:s1+s14], $0x80, s3, s14, $0xb8;
	[tilespmem:$0xCA00] =	vst v63  }
0x18: {  	_ = 	snop  }
0x19: {  	[tilespmem:s16], [sflag:$0x5] =	stream.linear.gather [hbm4b:s6+s3], $0xC8, $0x38;
	[tilespmem:$0xCA00] =	vst v63  }
0x1a: {  	_ =	swait.ge [sflag:s13], $0xC8  }
0x1b: {  	[sflag:s13] =	ssyncset.done $0x0  }
0x1c: {  	[sflag:s13] =	ssyncadd.s32 $0xFFFFFF38  }
0x1d: {  	[tilespmem:s17], [sflag:$0x2] =	stream.indirect.gather [hbm4b:s1+s14], $0x80, s16, s14, $0xb8;
	[tilespmem:$0xCA00] =	vst v63  }
0x1e: {  	_ =	swait.ge [sflag:s18], $0x6400  }
0x1f: {  	[sflag:s18] =	ssyncset.done $0x0  }
0x20: {  	s23 =	sadd.s32 $0xFFFFF380, s10;
	s24 =	sshrl.u32 s12, $0x3;
	[sflag:s18] =	ssyncadd.s32 $0xFFFF9C00  }
0x21: {  	[hbm4b:s23+s3] =	stream.linear.scatter [tilespmem:s15], [sflag:$0x3], $0x6400, $0x38;
	[tilespmem:$0xCA00] =	vst v63  }
0x22: {  	s30 =	sadd.s32 s4, s24  }
0x23: {  	[tilespmem:s3], [sflag:$0x5] =	stream.linear.gather [hbm4b:s30+s3], $0xC8, $0x38;
	[tilespmem:$0xCA00] =	vst v63  }
0x24: {  	_ =	swait.ge [sflag:s13], $0xC8  }
0x25: {  	[sflag:s13] =	ssyncset.done $0x0  }
0x26: {  	[sflag:s13] =	ssyncadd.s32 $0xFFFFFF38  }
0x27: {  	_ =	swait.ge [sflag:s19], $0x6400  }
0x28: {  	[sflag:s19] =	ssyncset.done $0x0  }
0x29: {  	[sflag:s19] =	ssyncadd.s32 $0xFFFF9C00  }
0x2a: {  	[tilespmem:s15], [sflag:$0x1] =	stream.indirect.gather [hbm4b:s1+s14], $0x80, s3, s14, $0xb8;
	[tilespmem:$0xCA00] =	vst v63  }
0x2b: {  	_ =	swait.ge [sflag:s20], $0x6400  }
0x2c: {  	[sflag:s20] =	ssyncset.done $0x0  }
0x2d: {  	[sflag:s20] =	ssyncadd.s32 $0xFFFF9C00  }
0x2e: {  	[hbm4b:s10+s3] =	stream.linear.scatter [tilespmem:s17], [sflag:$0x4], $0x6400, $0x38;
	[tilespmem:$0xCA00] =	vst v63  }
0x2f: {  	s31 =	sadd.s32 $0x0, s11  }
0x30: {  	[tilespmem:s16], [sflag:$0x5] =	stream.linear.gather [hbm4b:s31+s3], $0xC8, $0x38;
	[tilespmem:$0xCA00] =	vst v63  }
0x31: {  	_ =	swait.ge [sflag:s13], $0xC8  }
0x32: {  	[sflag:s13] =	ssyncset.done $0x0  }
0x33: {  	[sflag:s13] =	ssyncadd.s32 $0xFFFFFF38  }
0x34: {  	_ =	swait.ge [sflag:s21], $0x6400  }
0x35: {  	s25 =	sadd.s32 $0x190, s12;
	[sflag:s21] =	ssyncset.done $0x0  }
0x36: {  	s24 =	sadd.s32 $0x1900, s10;
	s23 =	simm.s32 $0x32;
	[sflag:s21] =	ssyncadd.s32 $0xFFFF9C00  }
.LBB2_2:
0x37: {  	[tilespmem:s17], [sflag:$0x2] =	stream.indirect.gather [hbm4b:s1+s14], $0x80, s16, s14, $0xb8;
	[tilespmem:$0xCA00] =	vst v63  }
0x38: {  	s26 =	smov.u32 s23  }
0x39: {  	p0 =	sne.s32 s23, $0x12C;
	s23 =	sadd.s32 $0x32, s23;
	_ =	swait.ge [sflag:s18], $0x6400  }
0x3a: {  	[sflag:s18] =	ssyncset.done $0x0  }
0x3b: {  	s28 =	sadd.s32 $0xFFFFF380, s24;
	s29 =	sshrl.u32 s25, $0x3;
	[sflag:s18] =	ssyncadd.s32 $0xFFFF9C00  }
0x3c: {  	[hbm4b:s28+s3] =	stream.linear.scatter [tilespmem:s15], [sflag:$0x3], $0x6400, $0x38;
	[tilespmem:$0xCA00] =	vst v63  }
0x3d: {  	s28 =	sadd.s32 s4, s29  }
0x3e: {  	[tilespmem:s3], [sflag:$0x5] =	stream.linear.gather [hbm4b:s28+s3], $0xC8, $0x38;
	[tilespmem:$0xCA00] =	vst v63  }
0x3f: {  	_ =	swait.ge [sflag:s13], $0xC8  }
0x40: {  	[sflag:s13] =	ssyncset.done $0x0  }
0x41: {  	[sflag:s13] =	ssyncadd.s32 $0xFFFFFF38  }
0x42: {  	_ =	swait.ge [sflag:s19], $0x6400  }
0x43: {  	[sflag:s19] =	ssyncset.done $0x0  }
0x44: {  	[sflag:s19] =	ssyncadd.s32 $0xFFFF9C00  }
0x45: {  	[tilespmem:s15], [sflag:$0x1] =	stream.indirect.gather [hbm4b:s1+s14], $0x80, s3, s14, $0xb8;
	[tilespmem:$0xCA00] =	vst v63  }
0x46: {  	_ =	swait.ge [sflag:s20], $0x6400  }
0x47: {  	[sflag:s20] =	ssyncset.done $0x0  }
0x48: {  	[sflag:s20] =	ssyncadd.s32 $0xFFFF9C00  }
0x49: {  	[hbm4b:s24+s3] =	stream.linear.scatter [tilespmem:s17], [sflag:$0x4], $0x6400, $0x38;
	[tilespmem:$0xCA00] =	vst v63  }
0x4a: {  	s26 =	sadd.s32 s26, s11  }
0x4b: {  	[tilespmem:s16], [sflag:$0x5] =	stream.linear.gather [hbm4b:s26+s3], $0xC8, $0x38;
	[tilespmem:$0xCA00] =	vst v63  }
0x4c: {  	_ =	swait.ge [sflag:s13], $0xC8  }
.Ltmp0:
0x4d: {  	[sflag:s13] =	ssyncset.done $0x0;
	(pc) =	sbr.rel @p0 .LBB2_2-.Ltmp0, $4  }
0x4e: {  	[sflag:s13] =	ssyncadd.s32 $0xFFFFFF38  }
0x4f: {  	_ =	swait.ge [sflag:s21], $0x6400  }
0x50: {  	[sflag:s21] =	ssyncset.done $0x0  }
0x51: {  	s25 =	sadd.s32 $0x190, s25;
	s24 =	sadd.s32 $0x1900, s24;
	[sflag:s21] =	ssyncadd.s32 $0xFFFF9C00  }
0x52: {  	[tilespmem:s17], [sflag:$0x2] =	stream.indirect.gather [hbm4b:s1+s14], $0x80, s16, s14, $0xb8;
	[tilespmem:$0xCA00] =	vst v63  }
0x53: {  	_ =	swait.ge [sflag:s18], $0x6400  }
0x54: {  	[sflag:s18] =	ssyncset.done $0x0  }
0x55: {  	[sflag:s18] =	ssyncadd.s32 $0xFFFF9C00  }
0x56: {  	[hbm4b:s7+s3] =	stream.linear.scatter [tilespmem:s15], [sflag:$0x5], $0x6400, $0x38;
	[tilespmem:$0xCA00] =	vst v63  }
0x57: {  	_ =	swait.ge [sflag:s13], $0x6400  }
0x58: {  	[sflag:s13] =	ssyncset.done $0x0  }
0x59: {  	[sflag:s13] =	ssyncadd.s32 $0xFFFF9C00  }
0x5a: {  	s22 =	sadd.s32 $0x1, s22;
	_ =	swait.ge [sflag:s20], $0x6400  }
0x5b: {  	p0 =	sne.s32 s22, s9;
	[sflag:s20] =	ssyncset.done $0x0  }
.Ltmp1:
0x5c: {  	[sflag:s20] =	ssyncadd.s32 $0xFFFF9C00;
	(pc) =	sbr.rel @p0 .LBB2_1-.Ltmp1, $4  }
0x5d: {  	[hbm4b:s8+s3] =	stream.linear.scatter [tilespmem:s17], [sflag:$0x5], $0x6400, $0x38;
	[tilespmem:$0xCA00] =	vst v63  }
0x5e: {  	_ =	swait.ge [sflag:s13], $0x6400  }
0x5f: {  	[sflag:s13] =	ssyncset.done $0x0  }
0x60: {  	[sflag:s13] =	ssyncadd.s32 $0xFFFF9C00  }
0x61: {  	_ =	sfence.sel $0x180000  }
0x62: {  	[bflag:$0x0] =	sbarrier.arrive $0xFFFF  }
0x63: {  	p0 =	sne.s32 s2, $0x0;
	_ =	strace $0x9000004A  }
0x64: {  	s0 =	sadd.s32 @!p0 $0x100000, s0;
	[bflag:$0x2] =	sbarrier.arrive $0xFFFF  }
0x65: {  	[sflag:s0] =	ssyncadd.tile.s32 @!p0 $0x1;
	_ =	shalt  }
.Lfunc_end2:
_tile_overlayer_lowered:
.L_overlay_start_2:
0x66: {  	(tag) =	ssettag $0x2  }
0x67: {  	s0 =	rddreg [dreg:$0x0];
	s2 =	stileid.u32  }
0x68: {  	s1 =	rddreg [dreg:$0x1];
	p0 =	sne.s32 s2, $0x0  }
0x69: {  	s3 =	rddreg [dreg:$0x2];
	[bflag:$0x3] =	sbarrier.arrive $0xFFFF;
	s2 =	simm.s32 @!p0 $0x1C05  }
0x6a: {  	[timem:s3], [sflag:s2] =	dma.local @!p0 [hbm:s0], s1  }
0x6b: {  	s0 =	simm.s32 @!p0 $0x5  }
0x6c: {  	_ =	swait.ge @!p0 [sflag:s0], s1  }
0x6d: {  	s1 =	ssub.s32 @!p0 $0x0, s1;
	[sflag:s0] =	ssyncset.done @!p0 $0x0  }
0x6e: {  	[sflag:s0] =	ssyncadd.s32 @!p0 s1  }
0x6f: {  	[bflag:$0x3] =	sbarrier.arrive $0xFFFF  }
0x70: {  	_ =	shalt  }

// kernel: kernel.9.cloned.1.call-start
scs
__scs_entry_jumppad:
0x0: {  	(pc) =	sbr.rel $0x88, $3  }
0x1: {  	(tag) =	ssettag $0x0;
	lr =	simm.s32 $0x1  }
0x2: {  	[smem:$0x3F97] =	sst lr;
	_ =	strace $0xD0000000  }
0x3: {  	_ = 	snop  }
0x4: {  	_ = 	snop  }
0x5: {  	_ = 	snop  }
0x6: {  	_ = 	snop  }
0x7: {  	_ = 	snop  }
__scs_overlays_trampoline_lowered:
0x8: {  	[smem:$0x3FA6] =	sst s0  }
0x9: {  	[smem:$0x3FA7] =	sst s1  }
0xa: {  	[smem:$0x3FA8] =	sst s2  }
0xb: {  	[smem:$0x3FA9] =	sst s3  }
0xc: {  	[smem:$0x3FAA] =	sst s4  }
0xd: {  	[smem:$0x3FAB] =	sst s5  }
0xe: {  	[smem:$0x3FAC] =	sst s6  }
0xf: {  	[smem:$0x3FAD] =	sst s7  }
0x10: {  	[smem:$0x3FAE] =	sst s8  }
0x11: {  	[smem:$0x3FAF] =	sst s9;
	s0 =	simm.s32 @!p0 $0x0  }
0x12: {  	s1 =	sld [smem:$0x3F95];
	s0 =	simm.s32 @p0 $0x1  }
0x13: {  	[smem:$0x3FB0] =	sst s0;
	s0 =	simm.s32 @!p1 $0x0  }
0x14: {  	s2 =	sld [smem:$0x3F94];
	s0 =	simm.s32 @p1 $0x1  }
0x15: {  	[smem:$0x3FB1] =	sst s0;
	s0 =	simm.s32 @!p2 $0x0  }
0x16: {  	s3 =	sld [smem:$0x3FDB];
	s0 =	simm.s32 @p2 $0x1  }
0x17: {  	s4 =	simm.s32 $0x1BF5;
	[smem:$0x3FB3] =	sst s0  }
0x18: {  	s0 =	sld [smem:$0x3F96];
	_ =	swait.ge [sflag:s4], $0x0  }
0x19: {  	s7 =	sld [smem:$0x3F97]  }
0x1a: {  	s8 =	sadd.s32 $0xFFFFE003, lr  }
0x1b: {  	s9 =	sadd.s32 $0xFFFFFEF7, lr;
	s5 =	simm.s32 $0xFFFFFFFF;
	p2 =	slt.u32 s8, $0xFFFFF086  }
0x1c: {  	p1 =	slt.u32 s9, $0xF7A;
	s5 =	simm.s32 @!p2 $0x0  }
0x1d: {  	s5 =	simm.s32 @p1 $0x1;
	p0 =	seq.s32 s7, s2  }
0x1e: {  	s7 =	smul.u32 @!p0 $0xF7A, s2;
	p2 =	seq.s32 @!p0 s5, $0x0  }
0x1f: {  	s9 =	smul.u32 $0xF7A, s1;
	s8 =	simm.s32 @!p0 $0x1BF5;
	p2 =	por !p2, p0  }
0x20: {  	[sflag:s8] =	ssyncset.s32 @!p0 $0xFFFFF086;
	s6 =	sadd.s32 @!p0 s3, s7;
	s7 =	simm.s32 @!p0 $0x108  }
0x21: {  	s3 =	sadd.s32 s3, s9;
	s6 =	sadd.s32 @!p0 $0x88, s6;
	s7 =	simm.s32 @p2 $0x1082  }
0x22: {  	[simem:s7], [sflag:s8] =	dma.local @!p0 [hbm:s6], $0xF7A  }
0x23: {  	s9 =	sor.u32 $0xD0000000, s2;
	s6 =	simm.s32 $0x108;
	_ =	swait.ge @!p0 [sflag:s8], $0x0  }
0x24: {  	s3 =	sadd.s32 $0x88, s3;
	s6 =	simm.s32 @!p1 $0x1082;
	[sflag:s4] =	ssyncset.s32 $0xFFFFF086  }
0x25: {  	[simem:s6], [sflag:s4] =	dma.local [hbm:s3], $0xF7A  }
0x26: {  	[smem:$0x3F97] =	sst s1;
	(tag) =	ssettag s2;
	_ =	strace s9  }
0x27: {  	s1 =	sld [smem:$0x3FA7]  }
0x28: {  	s2 =	sld [smem:$0x3FA8]  }
0x29: {  	s4 =	sld [smem:$0x3FAA]  }
0x2a: {  	p0 =	seq.s32 s5, $0x0;
	s5 =	sld [smem:$0x3FAB]  }
0x2b: {  	s6 =	sld [smem:$0x3FAC]  }
0x2c: {  	s7 =	sld [smem:$0x3FAD]  }
0x2d: {  	s3 =	simm.s32 $0x108;
	s8 =	sld [smem:$0x3FAE]  }
0x2e: {  	s3 =	simm.s32 @!p0 $0x1082;
	s9 =	sld [smem:$0x3FAF]  }
0x2f: {  	lr =	sadd.s32 s0, s3;
	s0 =	sld [smem:$0x3FA6]  }
0x30: {  	s3 =	sld [smem:$0x3FA9]  }
0x31: {  	[smem:$0x3FB2] =	sst s10  }
0x32: {  	s10 =	sld [smem:$0x3FB0];
	_ =	sdelay $0x3  }
0x33: {  	p0 =	seq.s32 s10, $0x1;
	s10 =	sld [smem:$0x3FB2];
	_ =	sdelay $0x3  }
0x34: {  	[smem:$0x3FB2] =	sst s10  }
0x35: {  	s10 =	sld [smem:$0x3FB1];
	_ =	sdelay $0x3  }
0x36: {  	p1 =	seq.s32 s10, $0x1;
	s10 =	sld [smem:$0x3FB2];
	_ =	sdelay $0x3  }
0x37: {  	[smem:$0x3FB2] =	sst s10  }
0x38: {  	s10 =	sld [smem:$0x3FB3]  }
0x39: {  	_ = 	snop;
	(pc) =	sbr.ind lr, $3  }
0x3a: {  	_ = 	snop  }
0x3b: {  	_ = 	snop  }
0x3c: {  	p2 =	seq.s32 s10, $0x1;
	s10 =	sld [smem:$0x3FB2]  }
0x3d: {  	_ =	shalt  }
0x3e: {  	_ =	shalt  }
0x3f: {  	_ =	shalt  }
0x40: {  	_ =	shalt  }
0x41: {  	_ =	shalt  }
0x42: {  	_ =	shalt  }
0x43: {  	_ =	shalt  }
0x44: {  	_ =	shalt  }
0x45: {  	_ =	shalt  }
0x46: {  	_ =	shalt  }
0x47: {  	_ =	shalt  }
0x48: {  	_ =	shalt  }
0x49: {  	_ =	shalt  }
0x4a: {  	_ =	shalt  }
0x4b: {  	_ =	shalt  }
0x4c: {  	_ =	shalt  }
0x4d: {  	_ =	shalt  }
0x4e: {  	_ =	shalt  }
0x4f: {  	_ =	shalt  }
0x50: {  	_ =	shalt  }
0x51: {  	_ =	shalt  }
0x52: {  	_ =	shalt  }
0x53: {  	_ =	shalt  }
0x54: {  	_ =	shalt  }
0x55: {  	_ =	shalt  }
0x56: {  	_ =	shalt  }
0x57: {  	_ =	shalt  }
0x58: {  	_ =	shalt  }
0x59: {  	_ =	shalt  }
0x5a: {  	_ =	shalt  }
0x5b: {  	_ =	shalt  }
0x5c: {  	_ =	shalt  }
0x5d: {  	_ =	shalt  }
0x5e: {  	_ =	shalt  }
0x5f: {  	_ =	shalt  }
0x60: {  	_ =	shalt  }
0x61: {  	_ =	shalt  }
0x62: {  	_ =	shalt  }
0x63: {  	_ =	shalt  }
0x64: {  	_ =	shalt  }
0x65: {  	_ =	shalt  }
0x66: {  	_ =	shalt  }
0x67: {  	_ =	shalt  }
0x68: {  	_ =	shalt  }
0x69: {  	_ =	shalt  }
0x6a: {  	_ =	shalt  }
0x6b: {  	_ =	shalt  }
0x6c: {  	_ =	shalt  }
0x6d: {  	_ =	shalt  }
0x6e: {  	_ =	shalt  }
0x6f: {  	_ =	shalt  }
0x70: {  	_ =	shalt  }
0x71: {  	_ =	shalt  }
0x72: {  	_ =	shalt  }
0x73: {  	_ =	shalt  }
0x74: {  	_ =	shalt  }
0x75: {  	_ =	shalt  }
0x76: {  	_ =	shalt  }
0x77: {  	_ =	shalt  }
0x78: {  	_ =	shalt  }
0x79: {  	_ =	shalt  }
0x7a: {  	_ =	shalt  }
0x7b: {  	_ =	shalt  }
0x7c: {  	_ =	shalt  }
0x7d: {  	_ =	shalt  }
0x7e: {  	_ =	shalt  }
0x7f: {  	_ =	shalt  }
0x80: {  	_ =	shalt  }
0x81: {  	_ =	shalt  }
0x82: {  	_ =	shalt  }
0x83: {  	_ =	shalt  }
0x84: {  	_ =	shalt  }
0x85: {  	_ =	shalt  }
0x86: {  	_ =	shalt  }
0x87: {  	_ =	shalt  }
.Lfunc_end0:
.L_simem_size_0:
called_computation_lowered:
.L_overlay_start_0:
0x88: {  	s2 =	sld [smem:$0x3FD9]  }
0x89: {  	s3 =	sld [smem:$0x3FFE];
	_ =	sdelay $0x1  }
0x8a: {  	s1 =	srdreg.scid  }
0x8b: {  	s0 =	sand.u32 $0x1, s1  }
0x8c: {  	s17 =	sshll.u32 s0, $0xA;
	s2 =	sadd.s32 s3, s2  }
0x8d: {  	s2 =	sadd.s32 s2, s17  }
0x8e: {  	[smem:$0x3FBE] =	sst s2  }
0x8f: {  	_ = 	snop  }
0x90: {  	s18 =	sld [smem:$0x3FD0];
	(tm) =	ssettm $0x1  }
0x91: {  	s19 =	sld [smem:$0x3FFB];
	_ =	sdelay $0x3  }
0x92: {  	_ =	strace s19  }
0x93: {  	s2 =	sld [smem:$0x3FFC];
	_ =	sdelay $0x3  }
0x94: {  	_ =	strace s2  }
0x95: {  	s2 =	sld [smem:$0x3FFD];
	_ =	sdelay $0x3  }
0x96: {  	_ =	strace s2  }
0x97: {  	_ =	strace $0x8FFFFFFF  }
0x98: {  	s20 =	sld [smem:$0x3FDB];
	_ =	sdelay $0x1  }
0x99: {  	s4 =	simm.s32 $_scs_section_size  }
0x9a: {  	s5 =	simm.s32 $_size__tile_overlayer_lowered;
	s6 =	simm.s32 $_tile_overlayer_lowered  }
0x9b: {  	s7 =	simm.s32 $0x1BFF;
	s21 =	sshll.u32 s6, $0x1;
	s4 =	sadd.s32 s4, s20  }
0x9c: {  	s22 =	simm.s32 $0x0;
	s5 =	sshll.u32 s5, $0x1;
	s6 =	sadd.s32 s21, s4  }
0x9d: {  	[timem:s22], [sflag:s7] =	dma.local [hbm:s6], s5  }
0x9e: {  	_ =	swait.ge [sflag:s7], s5  }
0x9f: {  	s5 =	ssub.s32 $0x0, s5;
	[sflag:s7] =	ssyncset.done $0x0  }
0xa0: {  	[sflag:s7] =	ssyncadd.s32 s5;
	_ =	sdelay $0x1  }
0xa1: {  	s23 =	simm.s32 $0x1B8B  }
0xa2: {  	_ =	swait.ge [sflag:s23], $0x1  }
0xa3: {  	[sflag:s23] =	ssyncset.done $0x0  }
0xa4: {  	[sflag:s23] =	ssyncadd.s32 $0xFFFFFFFF  }
0xa5: {  	s5 =	sld [smem:$0x0]  }
0xa6: {  	s6 =	sand.u32 $0xFFFFFFFE, s1  }
0xa7: {  	p0 =	sne.s32 s1, s6  }
0xa8: {  	s6 =	sshll.u32 @p0 s6, $0xE  }
0xa9: {  	s6 =	sadd.s32 @p0 $0x11B8D, s6;
	s7 =	sshll.u32 @p0 s5, $0x11  }
0xaa: {  	s6 =	sor.u32 @p0 s7, s6  }
0xab: {  	[sflag:s6] =	ssyncadd.remote.s32 @p0 $0x1;
	_ =	sdelay $0x1  }
0xac: {  	s6 =	simm.s32 @p0 $0x1B8D  }
0xad: {  	_ =	swait.eq @p0 [sflag:s6], $0x1  }
0xae: {  	[sflag:s6] =	ssyncadd.s32 @p0 $0xFFFFFFFF  }
0xaf: {  	s7 =	sshll.u32 @!p0 s1, $0xE  }
0xb0: {  	s7 =	sor.u32 @!p0 $0x4000, s7;
	s6 =	simm.s32 @!p0 $0x1B8D  }
0xb1: {  	s5 =	sshll.u32 @!p0 s5, $0x11;
	s7 =	sadd.s32 @!p0 $0x11B8D, s7;
	_ =	swait.eq @!p0 [sflag:s6], $0x1  }
0xb2: {  	s5 =	sor.u32 @!p0 s5, s7;
	[sflag:s6] =	ssyncadd.s32 @!p0 $0xFFFFFFFF  }
0xb3: {  	s25 =	simm.s32 $0x1B8E;
	s24 =	sld [smem:$0x3FFE];
	[sflag:s5] =	ssyncadd.remote.s32 @!p0 $0x1  }
0xb4: {  	s26 =	simm.s32 $execute0_lowered;
	[smem:$0x3FD2] =	sst s25  }
0xb5: {  	s6 =	sshll.u32 s26, $0x1;
	_ =	strace $0x8000004C;
	[dreg:$0x1] =	wrdreg $0xFFFFFFFF  }
0xb6: {  	s28 =	simm.s32 $_size_execute0_lowered;
	s4 =	sadd.s32 s4, s6;
	[dreg:$0x0] =	wrdreg $0x0  }
0xb7: {  	s6 =	sshll.u32 s28, $0x1;
	[dreg:$0x2] =	wrdreg s4  }
0xb8: {  	[dreg:$0x3] =	wrdreg s6  }
0xb9: {  	[dreg:$0x4] =	wrdreg $0xC0  }
0xba: {  	_ =	task [dreg:s22], $0x5FFFF  }
0xbb: {  	[dreg:$0x1] =	wrdreg $0xFFFFFFFF  }
0xbc: {  	[dreg:$0x0] =	wrdreg $0x60  }
0xbd: {  	[dreg:$0x2] =	wrdreg s18  }
0xbe: {  	[dreg:$0x3] =	wrdreg s24  }
0xbf: {  	[dreg:$0x4] =	wrdreg $0x9  }
0xc0: {  	_ =	task.clear_ibuf [dreg:s22], $0x5FFFF;
	_ =	strace $0x9000004C  }
0xc1: {  	s29 =	simm.s32 $0x9;
	_ =	strace $0x8000004E  }
0xc2: {  	_ =	swait.ge [sflag:s29], $0x1  }
0xc3: {  	[sflag:s29] =	ssyncadd.s32 $0xFFFFFFFF  }
0xc4: {  	_ =	strace $0x9000004E  }
0xc5: {  	_ =	sfence  }
0xc6: {  	s30 =	sld [smem:$0x0];
	_ =	sdelay $0x2  }
0xc7: {  	s31 =	sshll.u32 s1, $0xD;
	s1 =	sshrl.u32 s1, $0x2  }
0xc8: {  	s4 =	sand.u32 $0x4000, s31;
	s1 =	sadd.s32 s1, s30  }
0xc9: {  	s0 =	sor.u32 s4, s0;
	s1 =	sshll.u32 s1, $0x11  }
0xca: {  	s0 =	sor.u32 s1, s0  }
0xcb: {  	s0 =	sadd.s32 $0x8F2B, s0  }
0xcc: {  	[sflag:s0] =	ssyncadd.remote.s32 $0x1  }
0xcd: {  	_ =	sfence.sel $0xFFFF  }
0xce: {  	[dreg:$0x0] =	wrdreg $0xFFFFFFFF;
	(pc) =	sbr.abs _section_cstart, $3  }
0xcf: {  	[dreg:$0x1] =	wrdreg $0xFFFFFFFF  }
0xd0: {  	_ =	task.clear_ibuf [dreg:s22], $0x2FFFF;
	_ =	strace $0x9FFFFFFF  }
0xd1: {  	(tm) =	ssettm $0x7FFFFFFF  }
tec
execute0_lowered:
.L_overlay_start_1:
0x0: {  	(tag) =	ssettag $0x1  }
0x1: {  	s2 =	rddreg [dreg:$0x0]  }
0x2: {  	s5 =	rddreg [dreg:$0x1]  }
0x3: {  	s0 =	rddreg [dreg:$0x2];
	s4 =	srdreg.scid  }
0x4: {  	s1 =	stileid.u32;
	s3 =	simm.s32 $0x0;
	s18 =	simm.s32 $0x100  }
0x5: {  	s19 =	simm.s32 $0x6600;
	s20 =	simm.s32 $0x1;
	s21 =	simm.s32 $0x3  }
0x6: {  	s10 =	sand.u32 $0x1, s4;
	s22 =	sshll.u32 s1, $0x1;
	s26 =	smul.u32 $0x1A900, s1  }
0x7: {  	[smem:$0x7FF] =	sst s3;
	s4 =	sadd.s32 $0x344600, s5;
	s15 =	smul.u32 $0x1A90, s1  }
0x8: {  	s11 =	sadd.s32 $0x347C00, s5;
	s6 =	sor.u32 s10, s22;
	s16 =	smul.u32 $0xD48, s10  }
0x9: {  	_ =	strace $0x8000004D;
	s7 =	ssub.s32 $0x2, s10;
	s17 =	smul.u32 $0xD480, s10  }
0xa: {  	s22 =	simm.s32 $0x2;
	s8 =	smul.u32 $0xD48, s6;
	s23 =	sshrl.u32 s7, $0x1  }
0xb: {  	s13 =	smul.u32 $0x6A400, s6;
	s14 =	ssub.s32 s7, s23;
	s15 =	sadd.s32 s16, s15  }
0xc: {  	s16 =	simm.s32 $0xC8;
	s23 =	simm.s32 $0x4;
	s9 =	sshrl.u32 s8, $0x3  }
0xd: {  	s12 =	sadd.s32 $0xC8, s8;
	s25 =	sshrl.u32 s13, $0x3;
	s29 =	sadd.s32 $0xC80, s8  }
0xe: {  	s31 =	sadd.s32 $0x258, s15;
	s5 =	sadd.s32 s4, s9;
	s24 =	sshrl.u32 s12, $0x3  }
0xf: {  	s28 =	sadd.s32 s11, s25;
	s8 =	sshrl.u32 s29, $0x3;
	s30 =	sshll.u32 s29, $0x4  }
0x10: {  	s12 =	sadd.s32 s26, s11;
	s13 =	sshrl.u32 s31, $0x3;
	s6 =	sadd.s32 s4, s24  }
0x11: {  	s7 =	sadd.s32 $0xAF00, s28;
	s8 =	sadd.s32 s4, s8;
	s9 =	sadd.s32 $0xBB80, s28  }
0x12: {  	s10 =	sadd.s32 s11, s30;
	s12 =	sadd.s32 s17, s12;
	s11 =	smax.u32 s14, $0x1  }
0x13: {  	s13 =	sadd.s32 s13, s4;
	s14 =	sadd.s32 $0x190, s15;
	s15 =	simm.s32 $0x5  }
0x14: {  	s17 =	simm.s32 $0x200;
	s24 =	simm.s32 $0x0;
	s12 =	sadd.s32 $0xC80, s12  }
.LBB2_1:
0x15: {  	[tilespmem:s3], [sflag:$0x5] =	stream.linear.gather [hbm4b:s5+s3], $0xC8, $0x38;
	[tilespmem:$0xCA00] =	vst v63  }
0x16: {  	_ =	swait.ge [sflag:s15], $0xC8  }
0x17: {  	[sflag:s15] =	ssyncset.done $0x0  }
0x18: {  	[sflag:s15] =	ssyncadd.s32 $0xFFFFFF38  }
0x19: {  	[tilespmem:s17], [sflag:$0x1] =	stream.indirect.gather [hbm4b:s2+s16], $0x80, s3, s16, $0xb8;
	[tilespmem:$0xCA00] =	vst v63  }
0x1a: {  	_ = 	snop  }
0x1b: {  	[tilespmem:s18], [sflag:$0x5] =	stream.linear.gather [hbm4b:s6+s3], $0xC8, $0x38;
	[tilespmem:$0xCA00] =	vst v63  }
0x1c: {  	_ =	swait.ge [sflag:s15], $0xC8  }
0x1d: {  	[sflag:s15] =	ssyncset.done $0x0  }
0x1e: {  	[sflag:s15] =	ssyncadd.s32 $0xFFFFFF38  }
0x1f: {  	[tilespmem:s19], [sflag:$0x2] =	stream.indirect.gather [hbm4b:s2+s16], $0x80, s18, s16, $0xb8;
	[tilespmem:$0xCA00] =	vst v63  }
0x20: {  	_ =	swait.ge [sflag:s20], $0x6400  }
0x21: {  	[sflag:s20] =	ssyncset.done $0x0  }
0x22: {  	s25 =	sadd.s32 $0xFFFFF380, s12;
	s26 =	sshrl.u32 s14, $0x3;
	[sflag:s20] =	ssyncadd.s32 $0xFFFF9C00  }
0x23: {  	[hbm4b:s25+s3] =	stream.linear.scatter [tilespmem:s17], [sflag:$0x3], $0x6400, $0x38;
	[tilespmem:$0xCA00] =	vst v63  }
0x24: {  	s30 =	sadd.s32 s4, s26  }
0x25: {  	[tilespmem:s3], [sflag:$0x5] =	stream.linear.gather [hbm4b:s30+s3], $0xC8, $0x38;
	[tilespmem:$0xCA00] =	vst v63  }
0x26: {  	_ =	swait.ge [sflag:s15], $0xC8  }
0x27: {  	[sflag:s15] =	ssyncset.done $0x0  }
0x28: {  	[sflag:s15] =	ssyncadd.s32 $0xFFFFFF38  }
0x29: {  	_ =	swait.ge [sflag:s21], $0x6400  }
0x2a: {  	[sflag:s21] =	ssyncset.done $0x0  }
0x2b: {  	[sflag:s21] =	ssyncadd.s32 $0xFFFF9C00  }
0x2c: {  	[tilespmem:s17], [sflag:$0x1] =	stream.indirect.gather [hbm4b:s2+s16], $0x80, s3, s16, $0xb8;
	[tilespmem:$0xCA00] =	vst v63  }
0x2d: {  	_ =	swait.ge [sflag:s22], $0x6400  }
0x2e: {  	[sflag:s22] =	ssyncset.done $0x0  }
0x2f: {  	[sflag:s22] =	ssyncadd.s32 $0xFFFF9C00  }
0x30: {  	[hbm4b:s12+s3] =	stream.linear.scatter [tilespmem:s19], [sflag:$0x4], $0x6400, $0x38;
	[tilespmem:$0xCA00] =	vst v63  }
0x31: {  	s31 =	sadd.s32 $0x0, s13  }
0x32: {  	[tilespmem:s18], [sflag:$0x5] =	stream.linear.gather [hbm4b:s31+s3], $0xC8, $0x38;
	[tilespmem:$0xCA00] =	vst v63  }
0x33: {  	_ =	swait.ge [sflag:s15], $0xC8  }
0x34: {  	[sflag:s15] =	ssyncset.done $0x0  }
0x35: {  	[sflag:s15] =	ssyncadd.s32 $0xFFFFFF38  }
0x36: {  	_ =	swait.ge [sflag:s23], $0x6400  }
0x37: {  	s28 =	sadd.s32 $0x190, s14;
	[sflag:s23] =	ssyncset.done $0x0  }
0x38: {  	s26 =	sadd.s32 $0x1900, s12;
	s25 =	simm.s32 $0x32;
	[sflag:s23] =	ssyncadd.s32 $0xFFFF9C00  }
.LBB2_2:
0x39: {  	[tilespmem:s19], [sflag:$0x2] =	stream.indirect.gather [hbm4b:s2+s16], $0x80, s18, s16, $0xb8;
	[tilespmem:$0xCA00] =	vst v63  }
0x3a: {  	s29 =	smov.u32 s25  }
0x3b: {  	p0 =	sne.s32 s25, $0x12C;
	s25 =	sadd.s32 $0x32, s25;
	_ =	swait.ge [sflag:s20], $0x6400  }
0x3c: {  	[sflag:s20] =	ssyncset.done $0x0  }
0x3d: {  	s30 =	sadd.s32 $0xFFFFF380, s26;
	s31 =	sshrl.u32 s28, $0x3;
	[sflag:s20] =	ssyncadd.s32 $0xFFFF9C00  }
0x3e: {  	[hbm4b:s30+s3] =	stream.linear.scatter [tilespmem:s17], [sflag:$0x3], $0x6400, $0x38;
	[tilespmem:$0xCA00] =	vst v63  }
0x3f: {  	s30 =	sadd.s32 s4, s31  }
0x40: {  	[tilespmem:s3], [sflag:$0x5] =	stream.linear.gather [hbm4b:s30+s3], $0xC8, $0x38;
	[tilespmem:$0xCA00] =	vst v63  }
0x41: {  	_ =	swait.ge [sflag:s15], $0xC8  }
0x42: {  	[sflag:s15] =	ssyncset.done $0x0  }
0x43: {  	[sflag:s15] =	ssyncadd.s32 $0xFFFFFF38  }
0x44: {  	_ =	swait.ge [sflag:s21], $0x6400  }
0x45: {  	[sflag:s21] =	ssyncset.done $0x0  }
0x46: {  	[sflag:s21] =	ssyncadd.s32 $0xFFFF9C00  }
0x47: {  	[tilespmem:s17], [sflag:$0x1] =	stream.indirect.gather [hbm4b:s2+s16], $0x80, s3, s16, $0xb8;
	[tilespmem:$0xCA00] =	vst v63  }
0x48: {  	_ =	swait.ge [sflag:s22], $0x6400  }
0x49: {  	[sflag:s22] =	ssyncset.done $0x0  }
0x4a: {  	[sflag:s22] =	ssyncadd.s32 $0xFFFF9C00  }
0x4b: {  	[hbm4b:s26+s3] =	stream.linear.scatter [tilespmem:s19], [sflag:$0x4], $0x6400, $0x38;
	[tilespmem:$0xCA00] =	vst v63  }
0x4c: {  	s29 =	sadd.s32 s29, s13  }
0x4d: {  	[tilespmem:s18], [sflag:$0x5] =	stream.linear.gather [hbm4b:s29+s3], $0xC8, $0x38;
	[tilespmem:$0xCA00] =	vst v63  }
0x4e: {  	_ =	swait.ge [sflag:s15], $0xC8  }
.Ltmp0:
0x4f: {  	[sflag:s15] =	ssyncset.done $0x0;
	(pc) =	sbr.rel @p0 .LBB2_2-.Ltmp0, $4  }
0x50: {  	[sflag:s15] =	ssyncadd.s32 $0xFFFFFF38  }
0x51: {  	_ =	swait.ge [sflag:s23], $0x6400  }
0x52: {  	[sflag:s23] =	ssyncset.done $0x0  }
0x53: {  	s28 =	sadd.s32 $0x190, s28;
	s26 =	sadd.s32 $0x1900, s26;
	[sflag:s23] =	ssyncadd.s32 $0xFFFF9C00  }
0x54: {  	[tilespmem:s19], [sflag:$0x2] =	stream.indirect.gather [hbm4b:s2+s16], $0x80, s18, s16, $0xb8;
	[tilespmem:$0xCA00] =	vst v63  }
0x55: {  	_ =	swait.ge [sflag:s20], $0x6400  }
0x56: {  	[sflag:s20] =	ssyncset.done $0x0  }
0x57: {  	[sflag:s20] =	ssyncadd.s32 $0xFFFF9C00  }
0x58: {  	[hbm4b:s7+s3] =	stream.linear.scatter [tilespmem:s17], [sflag:$0x5], $0x6400, $0x38;
	[tilespmem:$0xCA00] =	vst v63  }
0x59: {  	_ =	swait.ge [sflag:s15], $0x6400  }
0x5a: {  	[sflag:s15] =	ssyncset.done $0x0  }
0x5b: {  	[sflag:s15] =	ssyncadd.s32 $0xFFFF9C00  }
0x5c: {  	[tilespmem:s3], [sflag:$0x5] =	stream.linear.gather [hbm4b:s8+s3], $0xC8, $0x38;
	[tilespmem:$0xCA00] =	vst v63  }
0x5d: {  	_ =	swait.ge [sflag:s15], $0xC8  }
0x5e: {  	[sflag:s15] =	ssyncset.done $0x0  }
0x5f: {  	[sflag:s15] =	ssyncadd.s32 $0xFFFFFF38  }
0x60: {  	[tilespmem:s17], [sflag:$0x1] =	stream.indirect.gather [hbm4b:s2+s16], $0x80, s3, s16, $0xb8;
	[tilespmem:$0xCA00] =	vst v63  }
0x61: {  	_ =	swait.ge [sflag:s22], $0x6400  }
0x62: {  	[sflag:s22] =	ssyncset.done $0x0  }
0x63: {  	[sflag:s22] =	ssyncadd.s32 $0xFFFF9C00  }
0x64: {  	[hbm4b:s9+s3] =	stream.linear.scatter [tilespmem:s19], [sflag:$0x5], $0x6400, $0x38;
	[tilespmem:$0xCA00] =	vst v63  }
0x65: {  	_ =	swait.ge [sflag:s15], $0x6400  }
0x66: {  	[sflag:s15] =	ssyncset.done $0x0  }
0x67: {  	[sflag:s15] =	ssyncadd.s32 $0xFFFF9C00  }
0x68: {  	s24 =	sadd.s32 $0x1, s24;
	_ =	swait.ge [sflag:s20], $0x6400  }
0x69: {  	p0 =	sne.s32 s24, s11;
	[sflag:s20] =	ssyncset.done $0x0  }
.Ltmp1:
0x6a: {  	[sflag:s20] =	ssyncadd.s32 $0xFFFF9C00;
	(pc) =	sbr.rel @p0 .LBB2_1-.Ltmp1, $4  }
0x6b: {  	[hbm4b:s10+s3] =	stream.linear.scatter [tilespmem:s17], [sflag:$0x5], $0x6400, $0x38;
	[tilespmem:$0xCA00] =	vst v63  }
0x6c: {  	_ =	swait.ge [sflag:s15], $0x6400  }
0x6d: {  	[sflag:s15] =	ssyncset.done $0x0  }
0x6e: {  	[sflag:s15] =	ssyncadd.s32 $0xFFFF9C00  }
0x6f: {  	_ =	sfence.sel $0x180000  }
0x70: {  	[bflag:$0x0] =	sbarrier.arrive $0xFFFF  }
0x71: {  	p0 =	sne.s32 s1, $0x0;
	_ =	strace $0x9000004D  }
0x72: {  	s0 =	sadd.s32 @!p0 $0x100000, s0;
	[bflag:$0x2] =	sbarrier.arrive $0xFFFF  }
0x73: {  	[sflag:s0] =	ssyncadd.tile.s32 @!p0 $0x1;
	_ =	shalt  }
.Lfunc_end2:
_tile_overlayer_lowered:
.L_overlay_start_2:
0x74: {  	(tag) =	ssettag $0x2  }
0x75: {  	s0 =	rddreg [dreg:$0x0];
	s2 =	stileid.u32  }
0x76: {  	s1 =	rddreg [dreg:$0x1];
	p0 =	sne.s32 s2, $0x0  }
0x77: {  	s3 =	rddreg [dreg:$0x2];
	[bflag:$0x3] =	sbarrier.arrive $0xFFFF;
	s2 =	simm.s32 @!p0 $0x1C05  }
0x78: {  	[timem:s3], [sflag:s2] =	dma.local @!p0 [hbm:s0], s1  }
0x79: {  	s0 =	simm.s32 @!p0 $0x5  }
0x7a: {  	_ =	swait.ge @!p0 [sflag:s0], s1  }
0x7b: {  	s1 =	ssub.s32 @!p0 $0x0, s1;
	[sflag:s0] =	ssyncset.done @!p0 $0x0  }
0x7c: {  	[sflag:s0] =	ssyncadd.s32 @!p0 s1  }
0x7d: {  	[bflag:$0x3] =	sbarrier.arrive $0xFFFF  }
0x7e: {  	_ =	shalt  }

</sc_bundles>
